<compile_context>
chip_gen: v7x
topology: tpu7x:2x2x1
jax: 0.10.2.dev20260603
libtpu: 0.0.44.dev20260713+nightly
codegen_flags: <defaults>
</compile_context>

<pallas_src>
import jax
import jax.numpy as jnp
from jax import lax
from jax.experimental import pallas as pl
from jax.experimental.pallas import tpu as pltpu
from jax.experimental.pallas import tpu_sc as plsc

_B = 128
_N = 8192
_L = 16
_NC = 2
_NS = 16
_NW = _NC * _NS
_RPW = 1
_U = 4
_NBLK = _N // _L
_NIT = _NBLK // _U


def _argmax_row(row_v, lane):
    neg = jnp.full((_L,), -jnp.inf, jnp.float32)
    iz = jnp.zeros((_L,), jnp.int32)

    def step(i, carry):
        bvs, bis = carry
        nbvs, nbis = [], []
        for u in range(_U):
            v = row_v[pl.ds((i * _U + u) * _L, _L)]
            upd = v > bvs[u]
            nbvs.append(jnp.where(upd, v, bvs[u]))
            nbis.append(jnp.where(upd, jnp.full((_L,), i, jnp.int32), bis[u]))
        return tuple(nbvs), tuple(nbis)

    bvs, bis = lax.fori_loop(
        0, _NIT, step, ((neg,) * _U, (iz,) * _U), unroll=4
    )

    bv = bvs[0]
    gi = bis[0] * (_U * _L) + lane
    for u in range(1, _U):
        gu = bis[u] * (_U * _L) + (u * _L) + lane
        upd = (bvs[u] > bv) | ((bvs[u] == bv) & (gu < gi))
        bv = jnp.where(upd, bvs[u], bv)
        gi = jnp.where(upd, gu, gi)

    for d in (1, 2, 4, 8):
        perm = lane ^ d
        ov = bv.at[perm].get(mode="promise_in_bounds")
        oi = gi.at[perm].get(mode="promise_in_bounds")
        upd = (ov > bv) | ((ov == bv) & (oi < gi))
        bv = jnp.where(upd, ov, bv)
        gi = jnp.where(upd, oi, gi)
    return lax.squeeze(lax.slice(gi, (0,), (1,)), dimensions=(0,))


def _sc_body(coords_hbm, out_hbm, r0, r1, r2, r3, oh_v, fix_v, in_sem, zo_sem):
    wid = lax.axis_index("s") * _NC + lax.axis_index("c")
    base = wid * _RPW
    lane = lax.broadcasted_iota(jnp.int32, (_L,), 0)
    rows_v = [r0, r1, r2, r3]

    in_copies = [
        pltpu.async_copy(coords_hbm.at[base + r], rows_v[r], in_sem)
        for r in range(_RPW)
    ]

    zeros16 = jnp.zeros((_L,), jnp.float32)

    def zinit(i, c):
        oh_v[pl.ds(i * _L, _L)] = zeros16
        return c

    lax.fori_loop(0, _NBLK, zinit, 0)

    zo_copies = [
        pltpu.async_copy(oh_v, out_hbm.at[base + r], zo_sem)
        for r in range(_RPW)
    ]

    for c in in_copies:
        c.wait()

    idxs = [_argmax_row(rows_v[r], lane) for r in range(_RPW)]

    for c in zo_copies:
        c.wait()

    for r in range(_RPW):
        idx = idxs[r]
        blk = idx // _L
        l = idx % _L
        fix_v[...] = jnp.where(l == lane, 1.0, 0.0).astype(jnp.float32)
        pltpu.sync_copy(fix_v, out_hbm.at[base + r, pl.ds(blk * _L, _L)])


@jax.jit
def kernel(coords):
    mesh = plsc.VectorSubcoreMesh(core_axis_name="c", subcore_axis_name="s")
    run = pl.kernel(
        _sc_body,
        mesh=mesh,
        out_type=jax.ShapeDtypeStruct((_B, _N), jnp.float32),
        scratch_types=[
            pltpu.VMEM((_N,), jnp.float32),
            pltpu.VMEM((_N,), jnp.float32),
            pltpu.VMEM((_N,), jnp.float32),
            pltpu.VMEM((_N,), jnp.float32),
            pltpu.VMEM((_N,), jnp.float32),
            pltpu.VMEM((_L,), jnp.float32),
            pltpu.SemaphoreType.DMA,
            pltpu.SemaphoreType.DMA,
        ],
    )
    return run(coords)

# --- scband reference (transcript-rebuilt; emitter-appended) ---
"""Pipeline reference for scband-choose-first-agent-module-9887014716028 (READ-ONLY COPY).

The authoritative reference and input builder live on the scoring server;
editing this copy changes nothing except your own understanding.
"""

import jax, jax.numpy as jnp
import numpy as np

B = 128
N = 8192

def setup_inputs(seed: int = 0) -> dict:
    key = jax.random.key(seed)
    coords = jax.random.normal(key, (B, N), dtype=jnp.float32)
    return {"coords": coords}

def reference(coords):
    # r = zeros; r.scatter_(1, coords.argmax(1).unsqueeze(1), 1.0)
    idx = jnp.argmax(coords, axis=1)  # [B]
    r = jnp.zeros(coords.shape, dtype=jnp.float32)
    r = r.at[jnp.arange(coords.shape[0]), idx].set(1.0)
    return r

if __name__ == "__main__":
    import jax
    _d = setup_inputs()
    print(jax.jit(kernel)(*tuple(_d.values())))

</pallas_src>

<mosaic_0001>
#map = affine_map<(d0, d1) -> (0, 0)>
module attributes {stable_mosaic.version = 14 : i64} {
  func.func @_sc_body(%arg0: i32, %arg1: i32, %arg2: memref<128x8192xf32, #tpu.memory_space<hbm>>, %arg3: memref<128x8192xf32, #tpu.memory_space<hbm>>, %arg4: memref<8192xf32, #tpu.memory_space<vmem>>, %arg5: memref<8192xf32, #tpu.memory_space<vmem>>, %arg6: memref<8192xf32, #tpu.memory_space<vmem>>, %arg7: memref<8192xf32, #tpu.memory_space<vmem>>, %arg8: memref<8192xf32, #tpu.memory_space<vmem>>, %arg9: memref<16xf32, #tpu.memory_space<vmem>>, %arg10: memref<!tpu.dma_semaphore, #tpu.memory_space<semaphore_mem>>, %arg11: memref<!tpu.dma_semaphore, #tpu.memory_space<semaphore_mem>>) attributes {dimension_semantics = [#tpu.dimension_semantics<core_parallel>, #tpu.dimension_semantics<subcore_parallel>], iteration_bounds = array<i64: 2, 16>, scalar_prefetch = 0 : i64, scratch_operands = 8 : i64, tpu.core_type = #tpu.core_type<sc_vector_subcore>, window_params = [{transform_indices = #map}, {transform_indices = #map}]} {
    %mul3A = arith.constant 2 : i32
    %mul3A_0 = arith.muli %arg1, %mul3A : i32
    %add3A = arith.addi %mul3A_0, %arg0 : i32
    %mul3A_1 = arith.constant 1 : i32
    %mul3A_2 = arith.muli %add3A, %mul3A_1 : i32
    %iota3A = tpu.iota {dimensions = array<i32: 0>} : vector<16xi32>
    %add3A_3 = arith.constant 0 : i32
    %add3A_4 = arith.addi %mul3A_2, %add3A_3 : i32
    %dma_start3A = arith.constant 0 : i32
    %dma_start3A_5 = tpu.memref_slice %arg2[%add3A_4, %dma_start3A] : memref<128x8192xf32, #tpu.memory_space<hbm>> -> memref<1x8192xf32, #tpu.memory_space<hbm>>
    %dma_start3A_6 = tpu.memref_squeeze %dma_start3A_5 : memref<1x8192xf32, #tpu.memory_space<hbm>> -> memref<8192xf32, #tpu.memory_space<hbm>>
    %dma_start3A_7 = arith.constant 0 : i32
    %dma_start3A_8 = tpu.memref_slice %arg2[%add3A_4, %dma_start3A_7] : memref<128x8192xf32, #tpu.memory_space<hbm>> -> memref<1x8192xf32, #tpu.memory_space<hbm>>
    %dma_start3A_9 = tpu.memref_squeeze %dma_start3A_8 : memref<1x8192xf32, #tpu.memory_space<hbm>> -> memref<8192xf32, #tpu.memory_space<hbm>>
    tpu.enqueue_dma source(%dma_start3A_9 : memref<8192xf32, #tpu.memory_space<hbm>>) target(%arg4 : memref<8192xf32, #tpu.memory_space<vmem>>) target_semaphore(%arg10 : memref<!tpu.dma_semaphore, #tpu.memory_space<semaphore_mem>>)
    %broadcast_in_dim3A = arith.constant 0.000000e+00 : f32
    %broadcast_in_dim3A_10 = vector.broadcast %broadcast_in_dim3A : f32 to vector<16xf32>
    %scan3A = arith.constant 0 : i32
    %scan3A_11 = arith.constant 0 : i32
    %scan3A_12 = arith.constant 512 : i32
    %scan3A_13 = arith.addi %scan3A_11, %scan3A_12 : i32
    %scan3A_14 = arith.constant 1 : i32
    scf.for %scan3A_251 = %scan3A_11 to %scan3A_13 step %scan3A_14  : i32 {
      %mul3A_252 = arith.constant 16 : i32
      %mul3A_253 = arith.muli %scan3A_251, %mul3A_252 : i32
      %swap3A_254 = arith.index_cast %mul3A_253 : i32 to index
      %swap3A_255 = tpu.vector_load %arg8[%swap3A_254] {strides = array<i32>} : memref<8192xf32, #tpu.memory_space<vmem>>, vector<16xf32>,
      %swap3A_256 = vector.shape_cast %swap3A_255 : vector<16xf32> to vector<16xf32>
      %swap3A_257 = vector.shape_cast %broadcast_in_dim3A_10 : vector<16xf32> to vector<16xf32>
      tpu.vector_store %arg8[%swap3A_254], %swap3A_257 {strides = array<i32>} : memref<8192xf32, #tpu.memory_space<vmem>>, vector<16xf32>,
    }
    %scan3A_15 = arith.constant 512 : i32
    %add3A_16 = arith.constant 0 : i32
    %add3A_17 = arith.addi %mul3A_2, %add3A_16 : i32
    %dma_start3A_18 = arith.constant 0 : i32
    %dma_start3A_19 = tpu.memref_slice %arg3[%add3A_17, %dma_start3A_18] : memref<128x8192xf32, #tpu.memory_space<hbm>> -> memref<1x8192xf32, #tpu.memory_space<hbm>>
    %dma_start3A_20 = tpu.memref_squeeze %dma_start3A_19 : memref<1x8192xf32, #tpu.memory_space<hbm>> -> memref<8192xf32, #tpu.memory_space<hbm>>
    %dma_start3A_21 = arith.constant 0 : i32
    %dma_start3A_22 = tpu.memref_slice %arg3[%add3A_17, %dma_start3A_21] : memref<128x8192xf32, #tpu.memory_space<hbm>> -> memref<1x8192xf32, #tpu.memory_space<hbm>>
    %dma_start3A_23 = tpu.memref_squeeze %dma_start3A_22 : memref<1x8192xf32, #tpu.memory_space<hbm>> -> memref<8192xf32, #tpu.memory_space<hbm>>
    tpu.enqueue_dma source(%arg8 : memref<8192xf32, #tpu.memory_space<vmem>>) target(%dma_start3A_23 : memref<8192xf32, #tpu.memory_space<hbm>>) target_semaphore(%arg11 : memref<!tpu.dma_semaphore, #tpu.memory_space<semaphore_mem>>)
    %dma_wait3A = arith.constant 0 : i32
    %dma_wait3A_24 = tpu.memref_slice %arg2[%add3A_4, %dma_wait3A] : memref<128x8192xf32, #tpu.memory_space<hbm>> -> memref<1x8192xf32, #tpu.memory_space<hbm>>
    %dma_wait3A_25 = tpu.memref_squeeze %dma_wait3A_24 : memref<1x8192xf32, #tpu.memory_space<hbm>> -> memref<8192xf32, #tpu.memory_space<hbm>>
    %dma_wait3A_26 = arith.constant 0 : i32
    %dma_wait3A_27 = tpu.memref_slice %arg2[%add3A_4, %dma_wait3A_26] : memref<128x8192xf32, #tpu.memory_space<hbm>> -> memref<1x8192xf32, #tpu.memory_space<hbm>>
    %dma_wait3A_28 = tpu.memref_squeeze %dma_wait3A_27 : memref<1x8192xf32, #tpu.memory_space<hbm>> -> memref<8192xf32, #tpu.memory_space<hbm>>
    tpu.wait_dma2 semaphore(%arg10 : memref<!tpu.dma_semaphore, #tpu.memory_space<semaphore_mem>>) src(%dma_wait3A_28 : memref<8192xf32, #tpu.memory_space<hbm>>) dst(%arg4 : memref<8192xf32, #tpu.memory_space<vmem>>)
    %broadcast_in_dim3A_29 = arith.constant 0xFF800000 : f32
    %broadcast_in_dim3A_30 = vector.broadcast %broadcast_in_dim3A_29 : f32 to vector<16xf32>
    %broadcast_in_dim3A_31 = arith.constant 0 : i32
    %broadcast_in_dim3A_32 = vector.broadcast %broadcast_in_dim3A_31 : i32 to vector<16xi32>
    %scan3A_33 = arith.constant 0 : i32
    %scan3A_34 = arith.constant 128 : i32
    %scan3A_35 = arith.addi %scan3A_33, %scan3A_34 : i32
    %scan3A_36 = arith.constant 4 : i32
    %scan3A_37:8 = scf.for %scan3A_251 = %scan3A_33 to %scan3A_35 step %scan3A_36 iter_args(%scan3A_252 = %broadcast_in_dim3A_30, %scan3A_253 = %broadcast_in_dim3A_30, %scan3A_254 = %broadcast_in_dim3A_30, %scan3A_255 = %broadcast_in_dim3A_30, %scan3A_256 = %broadcast_in_dim3A_32, %scan3A_257 = %broadcast_in_dim3A_32, %scan3A_258 = %broadcast_in_dim3A_32, %scan3A_259 = %broadcast_in_dim3A_32) -> (vector<16xf32>, vector<16xf32>, vector<16xf32>, vector<16xf32>, vector<16xi32>, vector<16xi32>, vector<16xi32>, vector<16xi32>)  : i32 {
      %mul3A_260 = arith.constant 4 : i32
      %mul3A_261 = arith.muli %scan3A_251, %mul3A_260 : i32
      %add3A_262 = arith.constant 0 : i32
      %add3A_263 = arith.addi %mul3A_261, %add3A_262 : i32
      %mul3A_264 = arith.constant 16 : i32
      %mul3A_265 = arith.muli %add3A_263, %mul3A_264 : i32
      %get3A = arith.index_cast %mul3A_265 : i32 to index
      %get3A_266 = tpu.vector_load %arg4[%get3A] {strides = array<i32>} : memref<8192xf32, #tpu.memory_space<vmem>>, vector<16xf32>,
      %get3A_267 = vector.shape_cast %get3A_266 : vector<16xf32> to vector<16xf32>
      %gt3A_268 = arith.cmpf ogt, %get3A_267, %scan3A_252 : vector<16xf32>
      %select_n3A_269 = arith.select %gt3A_268, %get3A_267, %scan3A_252 : vector<16xi1>, vector<16xf32>
      %broadcast_in_dim3A_270 = vector.broadcast %scan3A_251 : i32 to vector<16xi32>
      %select_n3A_271 = arith.select %gt3A_268, %broadcast_in_dim3A_270, %scan3A_256 : vector<16xi1>, vector<16xi32>
      %mul3A_272 = arith.constant 4 : i32
      %mul3A_273 = arith.muli %scan3A_251, %mul3A_272 : i32
      %add3A_274 = arith.constant 1 : i32
      %add3A_275 = arith.addi %mul3A_273, %add3A_274 : i32
      %mul3A_276 = arith.constant 16 : i32
      %mul3A_277 = arith.muli %add3A_275, %mul3A_276 : i32
      %get3A_278 = arith.index_cast %mul3A_277 : i32 to index
      %get3A_279 = tpu.vector_load %arg4[%get3A_278] {strides = array<i32>} : memref<8192xf32, #tpu.memory_space<vmem>>, vector<16xf32>,
      %get3A_280 = vector.shape_cast %get3A_279 : vector<16xf32> to vector<16xf32>
      %gt3A_281 = arith.cmpf ogt, %get3A_280, %scan3A_253 : vector<16xf32>
      %select_n3A_282 = arith.select %gt3A_281, %get3A_280, %scan3A_253 : vector<16xi1>, vector<16xf32>
      %broadcast_in_dim3A_283 = vector.broadcast %scan3A_251 : i32 to vector<16xi32>
      %select_n3A_284 = arith.select %gt3A_281, %broadcast_in_dim3A_283, %scan3A_257 : vector<16xi1>, vector<16xi32>
      %mul3A_285 = arith.constant 4 : i32
      %mul3A_286 = arith.muli %scan3A_251, %mul3A_285 : i32
      %add3A_287 = arith.constant 2 : i32
      %add3A_288 = arith.addi %mul3A_286, %add3A_287 : i32
      %mul3A_289 = arith.constant 16 : i32
      %mul3A_290 = arith.muli %add3A_288, %mul3A_289 : i32
      %get3A_291 = arith.index_cast %mul3A_290 : i32 to index
      %get3A_292 = tpu.vector_load %arg4[%get3A_291] {strides = array<i32>} : memref<8192xf32, #tpu.memory_space<vmem>>, vector<16xf32>,
      %get3A_293 = vector.shape_cast %get3A_292 : vector<16xf32> to vector<16xf32>
      %gt3A_294 = arith.cmpf ogt, %get3A_293, %scan3A_254 : vector<16xf32>
      %select_n3A_295 = arith.select %gt3A_294, %get3A_293, %scan3A_254 : vector<16xi1>, vector<16xf32>
      %broadcast_in_dim3A_296 = vector.broadcast %scan3A_251 : i32 to vector<16xi32>
      %select_n3A_297 = arith.select %gt3A_294, %broadcast_in_dim3A_296, %scan3A_258 : vector<16xi1>, vector<16xi32>
      %mul3A_298 = arith.constant 4 : i32
      %mul3A_299 = arith.muli %scan3A_251, %mul3A_298 : i32
      %add3A_300 = arith.constant 3 : i32
      %add3A_301 = arith.addi %mul3A_299, %add3A_300 : i32
      %mul3A_302 = arith.constant 16 : i32
      %mul3A_303 = arith.muli %add3A_301, %mul3A_302 : i32
      %get3A_304 = arith.index_cast %mul3A_303 : i32 to index
      %get3A_305 = tpu.vector_load %arg4[%get3A_304] {strides = array<i32>} : memref<8192xf32, #tpu.memory_space<vmem>>, vector<16xf32>,
      %get3A_306 = vector.shape_cast %get3A_305 : vector<16xf32> to vector<16xf32>
      %gt3A_307 = arith.cmpf ogt, %get3A_306, %scan3A_255 : vector<16xf32>
      %select_n3A_308 = arith.select %gt3A_307, %get3A_306, %scan3A_255 : vector<16xi1>, vector<16xf32>
      %broadcast_in_dim3A_309 = vector.broadcast %scan3A_251 : i32 to vector<16xi32>
      %select_n3A_310 = arith.select %gt3A_307, %broadcast_in_dim3A_309, %scan3A_259 : vector<16xi1>, vector<16xi32>
      %scan3A_311 = arith.constant 1 : i32
      %scan3A_312 = arith.addi %scan3A_251, %scan3A_311 : i32
      %mul3A_313 = arith.constant 4 : i32
      %mul3A_314 = arith.muli %scan3A_312, %mul3A_313 : i32
      %add3A_315 = arith.constant 0 : i32
      %add3A_316 = arith.addi %mul3A_314, %add3A_315 : i32
      %mul3A_317 = arith.constant 16 : i32
      %mul3A_318 = arith.muli %add3A_316, %mul3A_317 : i32
      %get3A_319 = arith.index_cast %mul3A_318 : i32 to index
      %get3A_320 = tpu.vector_load %arg4[%get3A_319] {strides = array<i32>} : memref<8192xf32, #tpu.memory_space<vmem>>, vector<16xf32>,
      %get3A_321 = vector.shape_cast %get3A_320 : vector<16xf32> to vector<16xf32>
      %gt3A_322 = arith.cmpf ogt, %get3A_321, %select_n3A_269 : vector<16xf32>
      %select_n3A_323 = arith.select %gt3A_322, %get3A_321, %select_n3A_269 : vector<16xi1>, vector<16xf32>
      %broadcast_in_dim3A_324 = vector.broadcast %scan3A_312 : i32 to vector<16xi32>
      %select_n3A_325 = arith.select %gt3A_322, %broadcast_in_dim3A_324, %select_n3A_271 : vector<16xi1>, vector<16xi32>
      %mul3A_326 = arith.constant 4 : i32
      %mul3A_327 = arith.muli %scan3A_312, %mul3A_326 : i32
      %add3A_328 = arith.constant 1 : i32
      %add3A_329 = arith.addi %mul3A_327, %add3A_328 : i32
      %mul3A_330 = arith.constant 16 : i32
      %mul3A_331 = arith.muli %add3A_329, %mul3A_330 : i32
      %get3A_332 = arith.index_cast %mul3A_331 : i32 to index
      %get3A_333 = tpu.vector_load %arg4[%get3A_332] {strides = array<i32>} : memref<8192xf32, #tpu.memory_space<vmem>>, vector<16xf32>,
      %get3A_334 = vector.shape_cast %get3A_333 : vector<16xf32> to vector<16xf32>
      %gt3A_335 = arith.cmpf ogt, %get3A_334, %select_n3A_282 : vector<16xf32>
      %select_n3A_336 = arith.select %gt3A_335, %get3A_334, %select_n3A_282 : vector<16xi1>, vector<16xf32>
      %broadcast_in_dim3A_337 = vector.broadcast %scan3A_312 : i32 to vector<16xi32>
      %select_n3A_338 = arith.select %gt3A_335, %broadcast_in_dim3A_337, %select_n3A_284 : vector<16xi1>, vector<16xi32>
      %mul3A_339 = arith.constant 4 : i32
      %mul3A_340 = arith.muli %scan3A_312, %mul3A_339 : i32
      %add3A_341 = arith.constant 2 : i32
      %add3A_342 = arith.addi %mul3A_340, %add3A_341 : i32
      %mul3A_343 = arith.constant 16 : i32
      %mul3A_344 = arith.muli %add3A_342, %mul3A_343 : i32
      %get3A_345 = arith.index_cast %mul3A_344 : i32 to index
      %get3A_346 = tpu.vector_load %arg4[%get3A_345] {strides = array<i32>} : memref<8192xf32, #tpu.memory_space<vmem>>, vector<16xf32>,
      %get3A_347 = vector.shape_cast %get3A_346 : vector<16xf32> to vector<16xf32>
      %gt3A_348 = arith.cmpf ogt, %get3A_347, %select_n3A_295 : vector<16xf32>
      %select_n3A_349 = arith.select %gt3A_348, %get3A_347, %select_n3A_295 : vector<16xi1>, vector<16xf32>
      %broadcast_in_dim3A_350 = vector.broadcast %scan3A_312 : i32 to vector<16xi32>
      %select_n3A_351 = arith.select %gt3A_348, %broadcast_in_dim3A_350, %select_n3A_297 : vector<16xi1>, vector<16xi32>
      %mul3A_352 = arith.constant 4 : i32
      %mul3A_353 = arith.muli %scan3A_312, %mul3A_352 : i32
      %add3A_354 = arith.constant 3 : i32
      %add3A_355 = arith.addi %mul3A_353, %add3A_354 : i32
      %mul3A_356 = arith.constant 16 : i32
      %mul3A_357 = arith.muli %add3A_355, %mul3A_356 : i32
      %get3A_358 = arith.index_cast %mul3A_357 : i32 to index
      %get3A_359 = tpu.vector_load %arg4[%get3A_358] {strides = array<i32>} : memref<8192xf32, #tpu.memory_space<vmem>>, vector<16xf32>,
      %get3A_360 = vector.shape_cast %get3A_359 : vector<16xf32> to vector<16xf32>
      %gt3A_361 = arith.cmpf ogt, %get3A_360, %select_n3A_308 : vector<16xf32>
      %select_n3A_362 = arith.select %gt3A_361, %get3A_360, %select_n3A_308 : vector<16xi1>, vector<16xf32>
      %broadcast_in_dim3A_363 = vector.broadcast %scan3A_312 : i32 to vector<16xi32>
      %select_n3A_364 = arith.select %gt3A_361, %broadcast_in_dim3A_363, %select_n3A_310 : vector<16xi1>, vector<16xi32>
      %scan3A_365 = arith.constant 2 : i32
      %scan3A_366 = arith.addi %scan3A_251, %scan3A_365 : i32
      %mul3A_367 = arith.constant 4 : i32
      %mul3A_368 = arith.muli %scan3A_366, %mul3A_367 : i32
      %add3A_369 = arith.constant 0 : i32
      %add3A_370 = arith.addi %mul3A_368, %add3A_369 : i32
      %mul3A_371 = arith.constant 16 : i32
      %mul3A_372 = arith.muli %add3A_370, %mul3A_371 : i32
      %get3A_373 = arith.index_cast %mul3A_372 : i32 to index
      %get3A_374 = tpu.vector_load %arg4[%get3A_373] {strides = array<i32>} : memref<8192xf32, #tpu.memory_space<vmem>>, vector<16xf32>,
      %get3A_375 = vector.shape_cast %get3A_374 : vector<16xf32> to vector<16xf32>
      %gt3A_376 = arith.cmpf ogt, %get3A_375, %select_n3A_323 : vector<16xf32>
      %select_n3A_377 = arith.select %gt3A_376, %get3A_375, %select_n3A_323 : vector<16xi1>, vector<16xf32>
      %broadcast_in_dim3A_378 = vector.broadcast %scan3A_366 : i32 to vector<16xi32>
      %select_n3A_379 = arith.select %gt3A_376, %broadcast_in_dim3A_378, %select_n3A_325 : vector<16xi1>, vector<16xi32>
      %mul3A_380 = arith.constant 4 : i32
      %mul3A_381 = arith.muli %scan3A_366, %mul3A_380 : i32
      %add3A_382 = arith.constant 1 : i32
      %add3A_383 = arith.addi %mul3A_381, %add3A_382 : i32
      %mul3A_384 = arith.constant 16 : i32
      %mul3A_385 = arith.muli %add3A_383, %mul3A_384 : i32
      %get3A_386 = arith.index_cast %mul3A_385 : i32 to index
      %get3A_387 = tpu.vector_load %arg4[%get3A_386] {strides = array<i32>} : memref<8192xf32, #tpu.memory_space<vmem>>, vector<16xf32>,
      %get3A_388 = vector.shape_cast %get3A_387 : vector<16xf32> to vector<16xf32>
      %gt3A_389 = arith.cmpf ogt, %get3A_388, %select_n3A_336 : vector<16xf32>
      %select_n3A_390 = arith.select %gt3A_389, %get3A_388, %select_n3A_336 : vector<16xi1>, vector<16xf32>
      %broadcast_in_dim3A_391 = vector.broadcast %scan3A_366 : i32 to vector<16xi32>
      %select_n3A_392 = arith.select %gt3A_389, %broadcast_in_dim3A_391, %select_n3A_338 : vector<16xi1>, vector<16xi32>
      %mul3A_393 = arith.constant 4 : i32
      %mul3A_394 = arith.muli %scan3A_366, %mul3A_393 : i32
      %add3A_395 = arith.constant 2 : i32
      %add3A_396 = arith.addi %mul3A_394, %add3A_395 : i32
      %mul3A_397 = arith.constant 16 : i32
      %mul3A_398 = arith.muli %add3A_396, %mul3A_397 : i32
      %get3A_399 = arith.index_cast %mul3A_398 : i32 to index
      %get3A_400 = tpu.vector_load %arg4[%get3A_399] {strides = array<i32>} : memref<8192xf32, #tpu.memory_space<vmem>>, vector<16xf32>,
      %get3A_401 = vector.shape_cast %get3A_400 : vector<16xf32> to vector<16xf32>
      %gt3A_402 = arith.cmpf ogt, %get3A_401, %select_n3A_349 : vector<16xf32>
      %select_n3A_403 = arith.select %gt3A_402, %get3A_401, %select_n3A_349 : vector<16xi1>, vector<16xf32>
      %broadcast_in_dim3A_404 = vector.broadcast %scan3A_366 : i32 to vector<16xi32>
      %select_n3A_405 = arith.select %gt3A_402, %broadcast_in_dim3A_404, %select_n3A_351 : vector<16xi1>, vector<16xi32>
      %mul3A_406 = arith.constant 4 : i32
      %mul3A_407 = arith.muli %scan3A_366, %mul3A_406 : i32
      %add3A_408 = arith.constant 3 : i32
      %add3A_409 = arith.addi %mul3A_407, %add3A_408 : i32
      %mul3A_410 = arith.constant 16 : i32
      %mul3A_411 = arith.muli %add3A_409, %mul3A_410 : i32
      %get3A_412 = arith.index_cast %mul3A_411 : i32 to index
      %get3A_413 = tpu.vector_load %arg4[%get3A_412] {strides = array<i32>} : memref<8192xf32, #tpu.memory_space<vmem>>, vector<16xf32>,
      %get3A_414 = vector.shape_cast %get3A_413 : vector<16xf32> to vector<16xf32>
      %gt3A_415 = arith.cmpf ogt, %get3A_414, %select_n3A_362 : vector<16xf32>
      %select_n3A_416 = arith.select %gt3A_415, %get3A_414, %select_n3A_362 : vector<16xi1>, vector<16xf32>
      %broadcast_in_dim3A_417 = vector.broadcast %scan3A_366 : i32 to vector<16xi32>
      %select_n3A_418 = arith.select %gt3A_415, %broadcast_in_dim3A_417, %select_n3A_364 : vector<16xi1>, vector<16xi32>
      %scan3A_419 = arith.constant 3 : i32
      %scan3A_420 = arith.addi %scan3A_251, %scan3A_419 : i32
      %mul3A_421 = arith.constant 4 : i32
      %mul3A_422 = arith.muli %scan3A_420, %mul3A_421 : i32
      %add3A_423 = arith.constant 0 : i32
      %add3A_424 = arith.addi %mul3A_422, %add3A_423 : i32
      %mul3A_425 = arith.constant 16 : i32
      %mul3A_426 = arith.muli %add3A_424, %mul3A_425 : i32
      %get3A_427 = arith.index_cast %mul3A_426 : i32 to index
      %get3A_428 = tpu.vector_load %arg4[%get3A_427] {strides = array<i32>} : memref<8192xf32, #tpu.memory_space<vmem>>, vector<16xf32>,
      %get3A_429 = vector.shape_cast %get3A_428 : vector<16xf32> to vector<16xf32>
      %gt3A_430 = arith.cmpf ogt, %get3A_429, %select_n3A_377 : vector<16xf32>
      %select_n3A_431 = arith.select %gt3A_430, %get3A_429, %select_n3A_377 : vector<16xi1>, vector<16xf32>
      %broadcast_in_dim3A_432 = vector.broadcast %scan3A_420 : i32 to vector<16xi32>
      %select_n3A_433 = arith.select %gt3A_430, %broadcast_in_dim3A_432, %select_n3A_379 : vector<16xi1>, vector<16xi32>
      %mul3A_434 = arith.constant 4 : i32
      %mul3A_435 = arith.muli %scan3A_420, %mul3A_434 : i32
      %add3A_436 = arith.constant 1 : i32
      %add3A_437 = arith.addi %mul3A_435, %add3A_436 : i32
      %mul3A_438 = arith.constant 16 : i32
      %mul3A_439 = arith.muli %add3A_437, %mul3A_438 : i32
      %get3A_440 = arith.index_cast %mul3A_439 : i32 to index
      %get3A_441 = tpu.vector_load %arg4[%get3A_440] {strides = array<i32>} : memref<8192xf32, #tpu.memory_space<vmem>>, vector<16xf32>,
      %get3A_442 = vector.shape_cast %get3A_441 : vector<16xf32> to vector<16xf32>
      %gt3A_443 = arith.cmpf ogt, %get3A_442, %select_n3A_390 : vector<16xf32>
      %select_n3A_444 = arith.select %gt3A_443, %get3A_442, %select_n3A_390 : vector<16xi1>, vector<16xf32>
      %broadcast_in_dim3A_445 = vector.broadcast %scan3A_420 : i32 to vector<16xi32>
      %select_n3A_446 = arith.select %gt3A_443, %broadcast_in_dim3A_445, %select_n3A_392 : vector<16xi1>, vector<16xi32>
      %mul3A_447 = arith.constant 4 : i32
      %mul3A_448 = arith.muli %scan3A_420, %mul3A_447 : i32
      %add3A_449 = arith.constant 2 : i32
      %add3A_450 = arith.addi %mul3A_448, %add3A_449 : i32
      %mul3A_451 = arith.constant 16 : i32
      %mul3A_452 = arith.muli %add3A_450, %mul3A_451 : i32
      %get3A_453 = arith.index_cast %mul3A_452 : i32 to index
      %get3A_454 = tpu.vector_load %arg4[%get3A_453] {strides = array<i32>} : memref<8192xf32, #tpu.memory_space<vmem>>, vector<16xf32>,
      %get3A_455 = vector.shape_cast %get3A_454 : vector<16xf32> to vector<16xf32>
      %gt3A_456 = arith.cmpf ogt, %get3A_455, %select_n3A_403 : vector<16xf32>
      %select_n3A_457 = arith.select %gt3A_456, %get3A_455, %select_n3A_403 : vector<16xi1>, vector<16xf32>
      %broadcast_in_dim3A_458 = vector.broadcast %scan3A_420 : i32 to vector<16xi32>
      %select_n3A_459 = arith.select %gt3A_456, %broadcast_in_dim3A_458, %select_n3A_405 : vector<16xi1>, vector<16xi32>
      %mul3A_460 = arith.constant 4 : i32
      %mul3A_461 = arith.muli %scan3A_420, %mul3A_460 : i32
      %add3A_462 = arith.constant 3 : i32
      %add3A_463 = arith.addi %mul3A_461, %add3A_462 : i32
      %mul3A_464 = arith.constant 16 : i32
      %mul3A_465 = arith.muli %add3A_463, %mul3A_464 : i32
      %get3A_466 = arith.index_cast %mul3A_465 : i32 to index
      %get3A_467 = tpu.vector_load %arg4[%get3A_466] {strides = array<i32>} : memref<8192xf32, #tpu.memory_space<vmem>>, vector<16xf32>,
      %get3A_468 = vector.shape_cast %get3A_467 : vector<16xf32> to vector<16xf32>
      %gt3A_469 = arith.cmpf ogt, %get3A_468, %select_n3A_416 : vector<16xf32>
      %select_n3A_470 = arith.select %gt3A_469, %get3A_468, %select_n3A_416 : vector<16xi1>, vector<16xf32>
      %broadcast_in_dim3A_471 = vector.broadcast %scan3A_420 : i32 to vector<16xi32>
      %select_n3A_472 = arith.select %gt3A_469, %broadcast_in_dim3A_471, %select_n3A_418 : vector<16xi1>, vector<16xi32>
      scf.yield %select_n3A_431, %select_n3A_444, %select_n3A_457, %select_n3A_470, %select_n3A_433, %select_n3A_446, %select_n3A_459, %select_n3A_472 : vector<16xf32>, vector<16xf32>, vector<16xf32>, vector<16xf32>, vector<16xi32>, vector<16xi32>, vector<16xi32>, vector<16xi32>
    }
    %scan3A_38 = arith.constant 128 : i32
    %mul3A_39 = arith.constant 64 : i32
    %mul3A_40 = vector.broadcast %mul3A_39 : i32 to vector<16xi32>
    %mul3A_41 = arith.muli %scan3A_37#4, %mul3A_40 : vector<16xi32>
    %add3A_42 = arith.addi %mul3A_41, %iota3A : vector<16xi32>
    %mul3A_43 = arith.constant 64 : i32
    %mul3A_44 = vector.broadcast %mul3A_43 : i32 to vector<16xi32>
    %mul3A_45 = arith.muli %scan3A_37#5, %mul3A_44 : vector<16xi32>
    %add3A_46 = arith.constant 16 : i32
    %add3A_47 = vector.broadcast %add3A_46 : i32 to vector<16xi32>
    %add3A_48 = arith.addi %mul3A_45, %add3A_47 : vector<16xi32>
    %add3A_49 = arith.addi %add3A_48, %iota3A : vector<16xi32>
    %gt3A = arith.cmpf ogt, %scan3A_37#1, %scan3A_37#0 : vector<16xf32>
    %eq3A = arith.cmpf oeq, %scan3A_37#1, %scan3A_37#0 : vector<16xf32>
    %lt3A = arith.cmpi slt, %add3A_49, %add3A_42 : vector<16xi32>
    %and3A = arith.andi %eq3A, %lt3A : vector<16xi1>
    %or3A = arith.ori %gt3A, %and3A : vector<16xi1>
    %select_n3A = arith.select %or3A, %scan3A_37#1, %scan3A_37#0 : vector<16xi1>, vector<16xf32>
    %select_n3A_50 = arith.select %or3A, %add3A_49, %add3A_42 : vector<16xi1>, vector<16xi32>
    %mul3A_51 = arith.constant 64 : i32
    %mul3A_52 = vector.broadcast %mul3A_51 : i32 to vector<16xi32>
    %mul3A_53 = arith.muli %scan3A_37#6, %mul3A_52 : vector<16xi32>
    %add3A_54 = arith.constant 32 : i32
    %add3A_55 = vector.broadcast %add3A_54 : i32 to vector<16xi32>
    %add3A_56 = arith.addi %mul3A_53, %add3A_55 : vector<16xi32>
    %add3A_57 = arith.addi %add3A_56, %iota3A : vector<16xi32>
    %gt3A_58 = arith.cmpf ogt, %scan3A_37#2, %select_n3A : vector<16xf32>
    %eq3A_59 = arith.cmpf oeq, %scan3A_37#2, %select_n3A : vector<16xf32>
    %lt3A_60 = arith.cmpi slt, %add3A_57, %select_n3A_50 : vector<16xi32>
    %and3A_61 = arith.andi %eq3A_59, %lt3A_60 : vector<16xi1>
    %or3A_62 = arith.ori %gt3A_58, %and3A_61 : vector<16xi1>
    %select_n3A_63 = arith.select %or3A_62, %scan3A_37#2, %select_n3A : vector<16xi1>, vector<16xf32>
    %select_n3A_64 = arith.select %or3A_62, %add3A_57, %select_n3A_50 : vector<16xi1>, vector<16xi32>
    %mul3A_65 = arith.constant 64 : i32
    %mul3A_66 = vector.broadcast %mul3A_65 : i32 to vector<16xi32>
    %mul3A_67 = arith.muli %scan3A_37#7, %mul3A_66 : vector<16xi32>
    %add3A_68 = arith.constant 48 : i32
    %add3A_69 = vector.broadcast %add3A_68 : i32 to vector<16xi32>
    %add3A_70 = arith.addi %mul3A_67, %add3A_69 : vector<16xi32>
    %add3A_71 = arith.addi %add3A_70, %iota3A : vector<16xi32>
    %gt3A_72 = arith.cmpf ogt, %scan3A_37#3, %select_n3A_63 : vector<16xf32>
    %eq3A_73 = arith.cmpf oeq, %scan3A_37#3, %select_n3A_63 : vector<16xf32>
    %lt3A_74 = arith.cmpi slt, %add3A_71, %select_n3A_64 : vector<16xi32>
    %and3A_75 = arith.andi %eq3A_73, %lt3A_74 : vector<16xi1>
    %or3A_76 = arith.ori %gt3A_72, %and3A_75 : vector<16xi1>
    %select_n3A_77 = arith.select %or3A_76, %scan3A_37#3, %select_n3A_63 : vector<16xi1>, vector<16xf32>
    %select_n3A_78 = arith.select %or3A_76, %add3A_71, %select_n3A_64 : vector<16xi1>, vector<16xi32>
    %xor3A = arith.constant 1 : i32
    %xor3A_79 = vector.broadcast %xor3A : i32 to vector<16xi32>
    %xor3A_80 = arith.xori %iota3A, %xor3A_79 : vector<16xi32>
    %lt3A_81 = arith.constant 0 : i32
    %lt3A_82 = vector.broadcast %lt3A_81 : i32 to vector<16xi32>
    %lt3A_83 = arith.cmpi slt, %xor3A_80, %lt3A_82 : vector<16xi32>
    %add3A_84 = arith.constant 16 : i32
    %add3A_85 = vector.broadcast %add3A_84 : i32 to vector<16xi32>
    %add3A_86 = arith.addi %xor3A_80, %add3A_85 : vector<16xi32>
    %select_n3A_87 = arith.select %lt3A_83, %add3A_86, %xor3A_80 : vector<16xi1>, vector<16xi32>
    %broadcast_in_dim3A_88 = vector.shape_cast %select_n3A_87 : vector<16xi32> to vector<16x1xi32>
    %gather3A = vector.shape_cast %broadcast_in_dim3A_88 : vector<16x1xi32> to vector<16xi32>
    %gather3A_89 = tpu.dynamic_gather %select_n3A_77[%gather3A] in [0] : vector<16xf32>, vector<16xi32> -> vector<16xf32>
    %lt3A_90 = arith.constant 0 : i32
    %lt3A_91 = vector.broadcast %lt3A_90 : i32 to vector<16xi32>
    %lt3A_92 = arith.cmpi slt, %xor3A_80, %lt3A_91 : vector<16xi32>
    %add3A_93 = arith.constant 16 : i32
    %add3A_94 = vector.broadcast %add3A_93 : i32 to vector<16xi32>
    %add3A_95 = arith.addi %xor3A_80, %add3A_94 : vector<16xi32>
    %select_n3A_96 = arith.select %lt3A_92, %add3A_95, %xor3A_80 : vector<16xi1>, vector<16xi32>
    %broadcast_in_dim3A_97 = vector.shape_cast %select_n3A_96 : vector<16xi32> to vector<16x1xi32>
    %gather3A_98 = vector.shape_cast %broadcast_in_dim3A_97 : vector<16x1xi32> to vector<16xi32>
    %gather3A_99 = tpu.dynamic_gather %select_n3A_78[%gather3A_98] in [0] : vector<16xi32>, vector<16xi32> -> vector<16xi32>
    %gt3A_100 = arith.cmpf ogt, %gather3A_89, %select_n3A_77 : vector<16xf32>
    %eq3A_101 = arith.cmpf oeq, %gather3A_89, %select_n3A_77 : vector<16xf32>
    %lt3A_102 = arith.cmpi slt, %gather3A_99, %select_n3A_78 : vector<16xi32>
    %and3A_103 = arith.andi %eq3A_101, %lt3A_102 : vector<16xi1>
    %or3A_104 = arith.ori %gt3A_100, %and3A_103 : vector<16xi1>
    %select_n3A_105 = arith.select %or3A_104, %gather3A_89, %select_n3A_77 : vector<16xi1>, vector<16xf32>
    %select_n3A_106 = arith.select %or3A_104, %gather3A_99, %select_n3A_78 : vector<16xi1>, vector<16xi32>
    %xor3A_107 = arith.constant 2 : i32
    %xor3A_108 = vector.broadcast %xor3A_107 : i32 to vector<16xi32>
    %xor3A_109 = arith.xori %iota3A, %xor3A_108 : vector<16xi32>
    %lt3A_110 = arith.constant 0 : i32
    %lt3A_111 = vector.broadcast %lt3A_110 : i32 to vector<16xi32>
    %lt3A_112 = arith.cmpi slt, %xor3A_109, %lt3A_111 : vector<16xi32>
    %add3A_113 = arith.constant 16 : i32
    %add3A_114 = vector.broadcast %add3A_113 : i32 to vector<16xi32>
    %add3A_115 = arith.addi %xor3A_109, %add3A_114 : vector<16xi32>
    %select_n3A_116 = arith.select %lt3A_112, %add3A_115, %xor3A_109 : vector<16xi1>, vector<16xi32>
    %broadcast_in_dim3A_117 = vector.shape_cast %select_n3A_116 : vector<16xi32> to vector<16x1xi32>
    %gather3A_118 = vector.shape_cast %broadcast_in_dim3A_117 : vector<16x1xi32> to vector<16xi32>
    %gather3A_119 = tpu.dynamic_gather %select_n3A_105[%gather3A_118] in [0] : vector<16xf32>, vector<16xi32> -> vector<16xf32>
    %lt3A_120 = arith.constant 0 : i32
    %lt3A_121 = vector.broadcast %lt3A_120 : i32 to vector<16xi32>
    %lt3A_122 = arith.cmpi slt, %xor3A_109, %lt3A_121 : vector<16xi32>
    %add3A_123 = arith.constant 16 : i32
    %add3A_124 = vector.broadcast %add3A_123 : i32 to vector<16xi32>
    %add3A_125 = arith.addi %xor3A_109, %add3A_124 : vector<16xi32>
    %select_n3A_126 = arith.select %lt3A_122, %add3A_125, %xor3A_109 : vector<16xi1>, vector<16xi32>
    %broadcast_in_dim3A_127 = vector.shape_cast %select_n3A_126 : vector<16xi32> to vector<16x1xi32>
    %gather3A_128 = vector.shape_cast %broadcast_in_dim3A_127 : vector<16x1xi32> to vector<16xi32>
    %gather3A_129 = tpu.dynamic_gather %select_n3A_106[%gather3A_128] in [0] : vector<16xi32>, vector<16xi32> -> vector<16xi32>
    %gt3A_130 = arith.cmpf ogt, %gather3A_119, %select_n3A_105 : vector<16xf32>
    %eq3A_131 = arith.cmpf oeq, %gather3A_119, %select_n3A_105 : vector<16xf32>
    %lt3A_132 = arith.cmpi slt, %gather3A_129, %select_n3A_106 : vector<16xi32>
    %and3A_133 = arith.andi %eq3A_131, %lt3A_132 : vector<16xi1>
    %or3A_134 = arith.ori %gt3A_130, %and3A_133 : vector<16xi1>
    %select_n3A_135 = arith.select %or3A_134, %gather3A_119, %select_n3A_105 : vector<16xi1>, vector<16xf32>
    %select_n3A_136 = arith.select %or3A_134, %gather3A_129, %select_n3A_106 : vector<16xi1>, vector<16xi32>
    %xor3A_137 = arith.constant 4 : i32
    %xor3A_138 = vector.broadcast %xor3A_137 : i32 to vector<16xi32>
    %xor3A_139 = arith.xori %iota3A, %xor3A_138 : vector<16xi32>
    %lt3A_140 = arith.constant 0 : i32
    %lt3A_141 = vector.broadcast %lt3A_140 : i32 to vector<16xi32>
    %lt3A_142 = arith.cmpi slt, %xor3A_139, %lt3A_141 : vector<16xi32>
    %add3A_143 = arith.constant 16 : i32
    %add3A_144 = vector.broadcast %add3A_143 : i32 to vector<16xi32>
    %add3A_145 = arith.addi %xor3A_139, %add3A_144 : vector<16xi32>
    %select_n3A_146 = arith.select %lt3A_142, %add3A_145, %xor3A_139 : vector<16xi1>, vector<16xi32>
    %broadcast_in_dim3A_147 = vector.shape_cast %select_n3A_146 : vector<16xi32> to vector<16x1xi32>
    %gather3A_148 = vector.shape_cast %broadcast_in_dim3A_147 : vector<16x1xi32> to vector<16xi32>
    %gather3A_149 = tpu.dynamic_gather %select_n3A_135[%gather3A_148] in [0] : vector<16xf32>, vector<16xi32> -> vector<16xf32>
    %lt3A_150 = arith.constant 0 : i32
    %lt3A_151 = vector.broadcast %lt3A_150 : i32 to vector<16xi32>
    %lt3A_152 = arith.cmpi slt, %xor3A_139, %lt3A_151 : vector<16xi32>
    %add3A_153 = arith.constant 16 : i32
    %add3A_154 = vector.broadcast %add3A_153 : i32 to vector<16xi32>
    %add3A_155 = arith.addi %xor3A_139, %add3A_154 : vector<16xi32>
    %select_n3A_156 = arith.select %lt3A_152, %add3A_155, %xor3A_139 : vector<16xi1>, vector<16xi32>
    %broadcast_in_dim3A_157 = vector.shape_cast %select_n3A_156 : vector<16xi32> to vector<16x1xi32>
    %gather3A_158 = vector.shape_cast %broadcast_in_dim3A_157 : vector<16x1xi32> to vector<16xi32>
    %gather3A_159 = tpu.dynamic_gather %select_n3A_136[%gather3A_158] in [0] : vector<16xi32>, vector<16xi32> -> vector<16xi32>
    %gt3A_160 = arith.cmpf ogt, %gather3A_149, %select_n3A_135 : vector<16xf32>
    %eq3A_161 = arith.cmpf oeq, %gather3A_149, %select_n3A_135 : vector<16xf32>
    %lt3A_162 = arith.cmpi slt, %gather3A_159, %select_n3A_136 : vector<16xi32>
    %and3A_163 = arith.andi %eq3A_161, %lt3A_162 : vector<16xi1>
    %or3A_164 = arith.ori %gt3A_160, %and3A_163 : vector<16xi1>
    %select_n3A_165 = arith.select %or3A_164, %gather3A_149, %select_n3A_135 : vector<16xi1>, vector<16xf32>
    %select_n3A_166 = arith.select %or3A_164, %gather3A_159, %select_n3A_136 : vector<16xi1>, vector<16xi32>
    %xor3A_167 = arith.constant 8 : i32
    %xor3A_168 = vector.broadcast %xor3A_167 : i32 to vector<16xi32>
    %xor3A_169 = arith.xori %iota3A, %xor3A_168 : vector<16xi32>
    %lt3A_170 = arith.constant 0 : i32
    %lt3A_171 = vector.broadcast %lt3A_170 : i32 to vector<16xi32>
    %lt3A_172 = arith.cmpi slt, %xor3A_169, %lt3A_171 : vector<16xi32>
    %add3A_173 = arith.constant 16 : i32
    %add3A_174 = vector.broadcast %add3A_173 : i32 to vector<16xi32>
    %add3A_175 = arith.addi %xor3A_169, %add3A_174 : vector<16xi32>
    %select_n3A_176 = arith.select %lt3A_172, %add3A_175, %xor3A_169 : vector<16xi1>, vector<16xi32>
    %broadcast_in_dim3A_177 = vector.shape_cast %select_n3A_176 : vector<16xi32> to vector<16x1xi32>
    %gather3A_178 = vector.shape_cast %broadcast_in_dim3A_177 : vector<16x1xi32> to vector<16xi32>
    %gather3A_179 = tpu.dynamic_gather %select_n3A_165[%gather3A_178] in [0] : vector<16xf32>, vector<16xi32> -> vector<16xf32>
    %lt3A_180 = arith.constant 0 : i32
    %lt3A_181 = vector.broadcast %lt3A_180 : i32 to vector<16xi32>
    %lt3A_182 = arith.cmpi slt, %xor3A_169, %lt3A_181 : vector<16xi32>
    %add3A_183 = arith.constant 16 : i32
    %add3A_184 = vector.broadcast %add3A_183 : i32 to vector<16xi32>
    %add3A_185 = arith.addi %xor3A_169, %add3A_184 : vector<16xi32>
    %select_n3A_186 = arith.select %lt3A_182, %add3A_185, %xor3A_169 : vector<16xi1>, vector<16xi32>
    %broadcast_in_dim3A_187 = vector.shape_cast %select_n3A_186 : vector<16xi32> to vector<16x1xi32>
    %gather3A_188 = vector.shape_cast %broadcast_in_dim3A_187 : vector<16x1xi32> to vector<16xi32>
    %gather3A_189 = tpu.dynamic_gather %select_n3A_166[%gather3A_188] in [0] : vector<16xi32>, vector<16xi32> -> vector<16xi32>
    %gt3A_190 = arith.cmpf ogt, %gather3A_179, %select_n3A_165 : vector<16xf32>
    %eq3A_191 = arith.cmpf oeq, %gather3A_179, %select_n3A_165 : vector<16xf32>
    %lt3A_192 = arith.cmpi slt, %gather3A_189, %select_n3A_166 : vector<16xi32>
    %and3A_193 = arith.andi %eq3A_191, %lt3A_192 : vector<16xi1>
    %or3A_194 = arith.ori %gt3A_190, %and3A_193 : vector<16xi1>
    %select_n3A_195 = arith.select %or3A_194, %gather3A_179, %select_n3A_165 : vector<16xi1>, vector<16xf32>
    %select_n3A_196 = arith.select %or3A_194, %gather3A_189, %select_n3A_166 : vector<16xi1>, vector<16xi32>
    %slice3A = vector.extract_strided_slice %select_n3A_196 {offsets = [0], sizes = [1], strides = [1]} : vector<16xi32> to vector<1xi32>
    %squeeze3A = vector.extract %slice3A[0] : i32 from vector<1xi32>
    %dma_wait3A_197 = arith.constant 0 : i32
    %dma_wait3A_198 = tpu.memref_slice %arg3[%add3A_17, %dma_wait3A_197] : memref<128x8192xf32, #tpu.memory_space<hbm>> -> memref<1x8192xf32, #tpu.memory_space<hbm>>
    %dma_wait3A_199 = tpu.memref_squeeze %dma_wait3A_198 : memref<1x8192xf32, #tpu.memory_space<hbm>> -> memref<8192xf32, #tpu.memory_space<hbm>>
    %dma_wait3A_200 = arith.constant 0 : i32
    %dma_wait3A_201 = tpu.memref_slice %arg3[%add3A_17, %dma_wait3A_200] : memref<128x8192xf32, #tpu.memory_space<hbm>> -> memref<1x8192xf32, #tpu.memory_space<hbm>>
    %dma_wait3A_202 = tpu.memref_squeeze %dma_wait3A_201 : memref<1x8192xf32, #tpu.memory_space<hbm>> -> memref<8192xf32, #tpu.memory_space<hbm>>
    tpu.wait_dma2 semaphore(%arg11 : memref<!tpu.dma_semaphore, #tpu.memory_space<semaphore_mem>>) src(%arg8 : memref<8192xf32, #tpu.memory_space<vmem>>) dst(%dma_wait3A_202 : memref<8192xf32, #tpu.memory_space<hbm>>)
    %jit3A = arith.constant 16 : i32
    %div3A = arith.divsi %squeeze3A, %jit3A : i32
    %sign3A = arith.constant 0 : i32
    %sign3A_203 = arith.cmpi sgt, %squeeze3A, %sign3A : i32
    %sign3A_204 = arith.extui %sign3A_203 : i1 to i32
    %sign3A_205 = arith.constant 0 : i32
    %sign3A_206 = arith.cmpi slt, %squeeze3A, %sign3A_205 : i32
    %sign3A_207 = arith.extui %sign3A_206 : i1 to i32
    %sign3A_208 = arith.subi %sign3A_204, %sign3A_207 : i32
    %sign3A_209 = arith.constant 0 : i32
    %sign3A_210 = arith.cmpi sgt, %jit3A, %sign3A_209 : i32
    %sign3A_211 = arith.extui %sign3A_210 : i1 to i32
    %sign3A_212 = arith.constant 0 : i32
    %sign3A_213 = arith.cmpi slt, %jit3A, %sign3A_212 : i32
    %sign3A_214 = arith.extui %sign3A_213 : i1 to i32
    %sign3A_215 = arith.subi %sign3A_211, %sign3A_214 : i32
    %ne3A = arith.cmpi ne, %sign3A_208, %sign3A_215 : i32
    %rem3A = arith.remsi %squeeze3A, %jit3A : i32
    %ne3A_216 = arith.constant 0 : i32
    %ne3A_217 = arith.cmpi ne, %rem3A, %ne3A_216 : i32
    %and3A_218 = arith.andi %ne3A, %ne3A_217 : i1
    %sub3A = arith.constant 1 : i32
    %sub3A_219 = arith.subi %div3A, %sub3A : i32
    %select_n3A_220 = arith.select %and3A_218, %sub3A_219, %div3A : i32
    %jit3A_221 = arith.constant 16 : i32
    %eq3A_222 = arith.constant 0 : i32
    %eq3A_223 = arith.cmpi eq, %jit3A_221, %eq3A_222 : i32
    %jit3A_224 = arith.constant 1 : i32
    %select_n3A_225 = arith.select %eq3A_223, %jit3A_224, %jit3A_221 : i32
    %rem3A_226 = arith.remsi %squeeze3A, %select_n3A_225 : i32
    %ne3A_227 = arith.constant 0 : i32
    %ne3A_228 = arith.cmpi ne, %rem3A_226, %ne3A_227 : i32
    %lt3A_229 = arith.constant 0 : i32
    %lt3A_230 = arith.cmpi slt, %rem3A_226, %lt3A_229 : i32
    %lt3A_231 = arith.constant 0 : i32
    %lt3A_232 = arith.cmpi slt, %select_n3A_225, %lt3A_231 : i32
    %ne3A_233 = arith.xori %lt3A_230, %lt3A_232 : i1
    %and3A_234 = arith.andi %ne3A_233, %ne3A_228 : i1
    %add3A_235 = arith.addi %rem3A_226, %select_n3A_225 : i32
    %select_n3A_236 = arith.select %and3A_234, %add3A_235, %rem3A_226 : i32
    %eq3A_237 = vector.broadcast %select_n3A_236 : i32 to vector<16xi32>
    %eq3A_238 = arith.cmpi eq, %eq3A_237, %iota3A : vector<16xi32>
    %jit3A_239 = arith.constant 1.000000e+00 : f32
    %jit3A_240 = arith.constant 0.000000e+00 : f32
    %broadcast_in_dim3A_241 = vector.broadcast %jit3A_239 : f32 to vector<16xf32>
    %broadcast_in_dim3A_242 = vector.broadcast %jit3A_240 : f32 to vector<16xf32>
    %select_n3A_243 = arith.select %eq3A_238, %broadcast_in_dim3A_241, %broadcast_in_dim3A_242 : vector<16xi1>, vector<16xf32>
    %swap3A = arith.constant 0 : index
    %swap3A_244 = tpu.vector_load %arg9[%swap3A] {strides = array<i32>} : memref<16xf32, #tpu.memory_space<vmem>>, vector<16xf32>,
    %swap3A_245 = vector.shape_cast %swap3A_244 : vector<16xf32> to vector<16xf32>
    %swap3A_246 = vector.shape_cast %select_n3A_243 : vector<16xf32> to vector<16xf32>
    tpu.vector_store %arg9[%swap3A], %swap3A_246 {strides = array<i32>} : memref<16xf32, #tpu.memory_space<vmem>>, vector<16xf32>,
    %add3A_247 = arith.constant 0 : i32
    %add3A_248 = arith.addi %mul3A_2, %add3A_247 : i32
    %mul3A_249 = arith.constant 16 : i32
    %mul3A_250 = arith.muli %select_n3A_220, %mul3A_249 : i32
    "tpu.region"() ({
      %run_scoped3A = tpu.sem_alloc : memref<!tpu.dma_semaphore, #tpu.memory_space<semaphore_mem>>
      %dma_start3A_251 = tpu.memref_slice %arg3[%add3A_248, %mul3A_250] : memref<128x8192xf32, #tpu.memory_space<hbm>> -> memref<1x16xf32, #tpu.memory_space<hbm>>
      %dma_start3A_252 = tpu.memref_squeeze %dma_start3A_251 : memref<1x16xf32, #tpu.memory_space<hbm>> -> memref<16xf32, #tpu.memory_space<hbm>>
      %dma_start3A_253 = tpu.memref_slice %arg3[%add3A_248, %mul3A_250] : memref<128x8192xf32, #tpu.memory_space<hbm>> -> memref<1x16xf32, #tpu.memory_space<hbm>>
      %dma_start3A_254 = tpu.memref_squeeze %dma_start3A_253 : memref<1x16xf32, #tpu.memory_space<hbm>> -> memref<16xf32, #tpu.memory_space<hbm>>
      tpu.enqueue_dma source(%arg9 : memref<16xf32, #tpu.memory_space<vmem>>) target(%dma_start3A_254 : memref<16xf32, #tpu.memory_space<hbm>>) target_semaphore(%run_scoped3A : memref<!tpu.dma_semaphore, #tpu.memory_space<semaphore_mem>>)
      %dma_wait3A_255 = tpu.memref_slice %arg3[%add3A_248, %mul3A_250] : memref<128x8192xf32, #tpu.memory_space<hbm>> -> memref<1x16xf32, #tpu.memory_space<hbm>>
      %dma_wait3A_256 = tpu.memref_squeeze %dma_wait3A_255 : memref<1x16xf32, #tpu.memory_space<hbm>> -> memref<16xf32, #tpu.memory_space<hbm>>
      %dma_wait3A_257 = tpu.memref_slice %arg3[%add3A_248, %mul3A_250] : memref<128x8192xf32, #tpu.memory_space<hbm>> -> memref<1x16xf32, #tpu.memory_space<hbm>>
      %dma_wait3A_258 = tpu.memref_squeeze %dma_wait3A_257 : memref<1x16xf32, #tpu.memory_space<hbm>> -> memref<16xf32, #tpu.memory_space<hbm>>
      tpu.wait_dma2 semaphore(%run_scoped3A : memref<!tpu.dma_semaphore, #tpu.memory_space<semaphore_mem>>) src(%arg9 : memref<16xf32, #tpu.memory_space<vmem>>) dst(%dma_wait3A_258 : memref<16xf32, #tpu.memory_space<hbm>>)
      tpu.yield
    }) : () -> ()
    return
  }
}

</mosaic_0001>

<sc_bundles>
// kernel: kernel.3.cloned.1.call-start
scs
__scs_entry_jumppad:
0x0: {  	(pc) =	sbr.rel $0x88, $3  }
0x1: {  	(tag) =	ssettag $0x0;
	lr =	simm.s32 $0x1  }
0x2: {  	[smem:$0x3FA0] =	sst lr;
	_ =	strace $0xD0000000  }
0x3: {  	_ = 	snop  }
0x4: {  	_ = 	snop  }
0x5: {  	_ = 	snop  }
0x6: {  	_ = 	snop  }
0x7: {  	_ = 	snop  }
__scs_overlays_trampoline_lowered:
0x8: {  	[smem:$0x3FAF] =	sst s0  }
0x9: {  	[smem:$0x3FB0] =	sst s1  }
0xa: {  	[smem:$0x3FB1] =	sst s2  }
0xb: {  	[smem:$0x3FB2] =	sst s3  }
0xc: {  	[smem:$0x3FB3] =	sst s4  }
0xd: {  	[smem:$0x3FB4] =	sst s5  }
0xe: {  	[smem:$0x3FB5] =	sst s6  }
0xf: {  	[smem:$0x3FB6] =	sst s7  }
0x10: {  	[smem:$0x3FB7] =	sst s8  }
0x11: {  	[smem:$0x3FB8] =	sst s9;
	s0 =	simm.s32 @!p0 $0x0  }
0x12: {  	s1 =	sld [smem:$0x3F9E];
	s0 =	simm.s32 @p0 $0x1  }
0x13: {  	[smem:$0x3FB9] =	sst s0;
	s0 =	simm.s32 @!p1 $0x0  }
0x14: {  	s2 =	sld [smem:$0x3F9D];
	s0 =	simm.s32 @p1 $0x1  }
0x15: {  	[smem:$0x3FBA] =	sst s0;
	s0 =	simm.s32 @!p2 $0x0  }
0x16: {  	s3 =	sld [smem:$0x3FDB];
	s0 =	simm.s32 @p2 $0x1  }
0x17: {  	s4 =	simm.s32 $0x1BF5;
	[smem:$0x3FBC] =	sst s0  }
0x18: {  	s0 =	sld [smem:$0x3F9F];
	_ =	swait.ge [sflag:s4], $0x0  }
0x19: {  	s7 =	sld [smem:$0x3FA0]  }
0x1a: {  	s8 =	sadd.s32 $0xFFFFE003, lr  }
0x1b: {  	s9 =	sadd.s32 $0xFFFFFEF7, lr;
	s5 =	simm.s32 $0xFFFFFFFF;
	p2 =	slt.u32 s8, $0xFFFFF086  }
0x1c: {  	p1 =	slt.u32 s9, $0xF7A;
	s5 =	simm.s32 @!p2 $0x0  }
0x1d: {  	s5 =	simm.s32 @p1 $0x1;
	p0 =	seq.s32 s7, s2  }
0x1e: {  	s7 =	smul.u32 @!p0 $0xF7A, s2;
	p2 =	seq.s32 @!p0 s5, $0x0  }
0x1f: {  	s9 =	smul.u32 $0xF7A, s1;
	s8 =	simm.s32 @!p0 $0x1BF5;
	p2 =	por !p2, p0  }
0x20: {  	[sflag:s8] =	ssyncset.s32 @!p0 $0xFFFFF086;
	s6 =	sadd.s32 @!p0 s3, s7;
	s7 =	simm.s32 @!p0 $0x108  }
0x21: {  	s3 =	sadd.s32 s3, s9;
	s6 =	sadd.s32 @!p0 $0x88, s6;
	s7 =	simm.s32 @p2 $0x1082  }
0x22: {  	[simem:s7], [sflag:s8] =	dma.local @!p0 [hbm:s6], $0xF7A  }
0x23: {  	s9 =	sor.u32 $0xD0000000, s2;
	s6 =	simm.s32 $0x108;
	_ =	swait.ge @!p0 [sflag:s8], $0x0  }
0x24: {  	s3 =	sadd.s32 $0x88, s3;
	s6 =	simm.s32 @!p1 $0x1082;
	[sflag:s4] =	ssyncset.s32 $0xFFFFF086  }
0x25: {  	[simem:s6], [sflag:s4] =	dma.local [hbm:s3], $0xF7A  }
0x26: {  	[smem:$0x3FA0] =	sst s1;
	(tag) =	ssettag s2;
	_ =	strace s9  }
0x27: {  	s1 =	sld [smem:$0x3FB0]  }
0x28: {  	s2 =	sld [smem:$0x3FB1]  }
0x29: {  	s4 =	sld [smem:$0x3FB3]  }
0x2a: {  	p0 =	seq.s32 s5, $0x0;
	s5 =	sld [smem:$0x3FB4]  }
0x2b: {  	s6 =	sld [smem:$0x3FB5]  }
0x2c: {  	s7 =	sld [smem:$0x3FB6]  }
0x2d: {  	s3 =	simm.s32 $0x108;
	s8 =	sld [smem:$0x3FB7]  }
0x2e: {  	s3 =	simm.s32 @!p0 $0x1082;
	s9 =	sld [smem:$0x3FB8]  }
0x2f: {  	lr =	sadd.s32 s0, s3;
	s0 =	sld [smem:$0x3FAF]  }
0x30: {  	s3 =	sld [smem:$0x3FB2]  }
0x31: {  	[smem:$0x3FBB] =	sst s10  }
0x32: {  	s10 =	sld [smem:$0x3FB9];
	_ =	sdelay $0x3  }
0x33: {  	p0 =	seq.s32 s10, $0x1;
	s10 =	sld [smem:$0x3FBB];
	_ =	sdelay $0x3  }
0x34: {  	[smem:$0x3FBB] =	sst s10  }
0x35: {  	s10 =	sld [smem:$0x3FBA];
	_ =	sdelay $0x3  }
0x36: {  	p1 =	seq.s32 s10, $0x1;
	s10 =	sld [smem:$0x3FBB];
	_ =	sdelay $0x3  }
0x37: {  	[smem:$0x3FBB] =	sst s10  }
0x38: {  	s10 =	sld [smem:$0x3FBC]  }
0x39: {  	_ = 	snop;
	(pc) =	sbr.ind lr, $3  }
0x3a: {  	_ = 	snop  }
0x3b: {  	_ = 	snop  }
0x3c: {  	p2 =	seq.s32 s10, $0x1;
	s10 =	sld [smem:$0x3FBB]  }
0x3d: {  	_ =	shalt  }
0x3e: {  	_ =	shalt  }
0x3f: {  	_ =	shalt  }
0x40: {  	_ =	shalt  }
0x41: {  	_ =	shalt  }
0x42: {  	_ =	shalt  }
0x43: {  	_ =	shalt  }
0x44: {  	_ =	shalt  }
0x45: {  	_ =	shalt  }
0x46: {  	_ =	shalt  }
0x47: {  	_ =	shalt  }
0x48: {  	_ =	shalt  }
0x49: {  	_ =	shalt  }
0x4a: {  	_ =	shalt  }
0x4b: {  	_ =	shalt  }
0x4c: {  	_ =	shalt  }
0x4d: {  	_ =	shalt  }
0x4e: {  	_ =	shalt  }
0x4f: {  	_ =	shalt  }
0x50: {  	_ =	shalt  }
0x51: {  	_ =	shalt  }
0x52: {  	_ =	shalt  }
0x53: {  	_ =	shalt  }
0x54: {  	_ =	shalt  }
0x55: {  	_ =	shalt  }
0x56: {  	_ =	shalt  }
0x57: {  	_ =	shalt  }
0x58: {  	_ =	shalt  }
0x59: {  	_ =	shalt  }
0x5a: {  	_ =	shalt  }
0x5b: {  	_ =	shalt  }
0x5c: {  	_ =	shalt  }
0x5d: {  	_ =	shalt  }
0x5e: {  	_ =	shalt  }
0x5f: {  	_ =	shalt  }
0x60: {  	_ =	shalt  }
0x61: {  	_ =	shalt  }
0x62: {  	_ =	shalt  }
0x63: {  	_ =	shalt  }
0x64: {  	_ =	shalt  }
0x65: {  	_ =	shalt  }
0x66: {  	_ =	shalt  }
0x67: {  	_ =	shalt  }
0x68: {  	_ =	shalt  }
0x69: {  	_ =	shalt  }
0x6a: {  	_ =	shalt  }
0x6b: {  	_ =	shalt  }
0x6c: {  	_ =	shalt  }
0x6d: {  	_ =	shalt  }
0x6e: {  	_ =	shalt  }
0x6f: {  	_ =	shalt  }
0x70: {  	_ =	shalt  }
0x71: {  	_ =	shalt  }
0x72: {  	_ =	shalt  }
0x73: {  	_ =	shalt  }
0x74: {  	_ =	shalt  }
0x75: {  	_ =	shalt  }
0x76: {  	_ =	shalt  }
0x77: {  	_ =	shalt  }
0x78: {  	_ =	shalt  }
0x79: {  	_ =	shalt  }
0x7a: {  	_ =	shalt  }
0x7b: {  	_ =	shalt  }
0x7c: {  	_ =	shalt  }
0x7d: {  	_ =	shalt  }
0x7e: {  	_ =	shalt  }
0x7f: {  	_ =	shalt  }
0x80: {  	_ =	shalt  }
0x81: {  	_ =	shalt  }
0x82: {  	_ =	shalt  }
0x83: {  	_ =	shalt  }
0x84: {  	_ =	shalt  }
0x85: {  	_ =	shalt  }
0x86: {  	_ =	shalt  }
0x87: {  	_ =	shalt  }
.Lfunc_end0:
.L_simem_size_0:
called_computation_lowered:
.L_overlay_start_0:
0x88: {  	s2 =	sld [smem:$0x3FD9]  }
0x89: {  	s3 =	sld [smem:$0x3FFE];
	_ =	sdelay $0x1  }
0x8a: {  	s1 =	srdreg.scid  }
0x8b: {  	s0 =	sand.u32 $0x1, s1  }
0x8c: {  	s18 =	sshll.u32 s0, $0xA;
	s2 =	sadd.s32 s3, s2  }
0x8d: {  	s2 =	sadd.s32 s2, s18  }
0x8e: {  	[smem:$0x3FC7] =	sst s2  }
0x8f: {  	_ = 	snop  }
0x90: {  	s2 =	sld [smem:$0x3FC9]  }
0x91: {  	s19 =	sld [smem:$0x3FD0];
	(tm) =	ssettm $0x1  }
0x92: {  	s4 =	sld [smem:$0x3FFB];
	_ =	sdelay $0x3  }
0x93: {  	_ =	strace s4  }
0x94: {  	s4 =	sld [smem:$0x3FFC];
	_ =	sdelay $0x3  }
0x95: {  	_ =	strace s4  }
0x96: {  	s4 =	sld [smem:$0x3FFD];
	_ =	sdelay $0x3  }
0x97: {  	_ =	strace s4  }
0x98: {  	_ =	strace $0x8FFFFFFF  }
0x99: {  	s20 =	sld [smem:$0x3FDB];
	_ =	sdelay $0x1  }
0x9a: {  	s5 =	simm.s32 $_scs_section_size  }
0x9b: {  	s6 =	simm.s32 $_size__tile_overlayer_lowered;
	s7 =	simm.s32 $_tile_overlayer_lowered  }
0x9c: {  	s23 =	simm.s32 $0x1BFF;
	s22 =	sshll.u32 s7, $0x1;
	s4 =	sadd.s32 s5, s20  }
0x9d: {  	s8 =	simm.s32 $0x0;
	s21 =	sshll.u32 s6, $0x1;
	s6 =	sadd.s32 s22, s4  }
0x9e: {  	[timem:s8], [sflag:s23] =	dma.local [hbm:s6], s21  }
0x9f: {  	_ =	swait.ge [sflag:s23], s21  }
0xa0: {  	s5 =	ssub.s32 $0x0, s21;
	[sflag:s23] =	ssyncset.done $0x0  }
0xa1: {  	[sflag:s23] =	ssyncadd.s32 s5;
	_ =	sdelay $0x1  }
0xa2: {  	s24 =	simm.s32 $0x1B8B  }
0xa3: {  	_ =	swait.ge [sflag:s24], $0x1  }
0xa4: {  	[sflag:s24] =	ssyncset.done $0x0  }
0xa5: {  	s25 =	simm.s32 $0x1B8E;
	[sflag:s24] =	ssyncadd.s32 $0xFFFFFFFF  }
0xa6: {  	s26 =	simm.s32 $execute0_lowered;
	[smem:$0x3FD2] =	sst s25  }
0xa7: {  	s5 =	sshll.u32 s26, $0x1;
	_ =	strace $0x80000046;
	[dreg:$0x1] =	wrdreg $0xFFFFFFFF  }
0xa8: {  	s28 =	simm.s32 $_size_execute0_lowered;
	s4 =	sadd.s32 s4, s5;
	[dreg:$0x0] =	wrdreg $0x0  }
0xa9: {  	s5 =	sshll.u32 s28, $0x1;
	[dreg:$0x2] =	wrdreg s4  }
0xaa: {  	[dreg:$0x3] =	wrdreg s5  }
0xab: {  	[dreg:$0x4] =	wrdreg $0xC0  }
0xac: {  	_ =	task [dreg:s8], $0x5FFFF  }
0xad: {  	[dreg:$0x1] =	wrdreg $0xFFFFFFFF  }
0xae: {  	[dreg:$0x0] =	wrdreg $0x60  }
0xaf: {  	[dreg:$0x2] =	wrdreg s2  }
0xb0: {  	[dreg:$0x3] =	wrdreg s19  }
0xb1: {  	[dreg:$0x4] =	wrdreg $0x9  }
0xb2: {  	_ =	task.clear_ibuf [dreg:s8], $0x5FFFF;
	_ =	strace $0x90000046  }
0xb3: {  	s29 =	simm.s32 $0x9;
	_ =	strace $0x80000048  }
0xb4: {  	_ =	swait.ge [sflag:s29], $0x1  }
0xb5: {  	[sflag:s29] =	ssyncadd.s32 $0xFFFFFFFF  }
0xb6: {  	_ =	strace $0x90000048  }
0xb7: {  	_ =	sfence  }
0xb8: {  	s30 =	sld [smem:$0x0];
	_ =	sdelay $0x2  }
0xb9: {  	s31 =	sshll.u32 s1, $0xD;
	s1 =	sshrl.u32 s1, $0x2  }
0xba: {  	s3 =	sand.u32 $0x4000, s31;
	s1 =	sadd.s32 s1, s30  }
0xbb: {  	s0 =	sor.u32 s3, s0;
	s1 =	sshll.u32 s1, $0x11  }
0xbc: {  	s0 =	sor.u32 s1, s0  }
0xbd: {  	s0 =	sadd.s32 $0x8F2B, s0  }
0xbe: {  	[sflag:s0] =	ssyncadd.remote.s32 $0x1  }
0xbf: {  	_ =	sfence.sel $0xFFFF  }
0xc0: {  	[dreg:$0x0] =	wrdreg $0xFFFFFFFF;
	(pc) =	sbr.abs _section_cstart, $3  }
0xc1: {  	[dreg:$0x1] =	wrdreg $0xFFFFFFFF  }
0xc2: {  	_ =	task.clear_ibuf [dreg:s8], $0x2FFFF;
	_ =	strace $0x9FFFFFFF  }
0xc3: {  	(tm) =	ssettm $0x7FFFFFFF  }
tec
execute0_lowered:
.L_overlay_start_1:
0x0: {  	(tag) =	ssettag $0x1  }
0x1: {  	v0 =	vimm.s32 $0xEFCDAB89;
	v1 =	vimm.s32 $0x67452301  }
0x2: {  	v0 =	vunpack.c.l.s4.s8 v0;
	v1 =	vunpack.c.l.s4.s8 v1  }
0x3: {  	s6 =	rddreg [dreg:$0x0];
	v2 =	vimm.s32 $0xDCFE98BA  }
0x4: {  	s0 =	rddreg [dreg:$0x1];
	v2 =	vunpack.c.l.s4.s8 v2;
	v3 =	vunpack.c.0.s8.s32 v0;
	v4 =	vunpack.c.0.s8.s32 v1  }
0x5: {  	s3 =	srdreg.scid;
	s1 =	stileid.u32;
	v6 =	vimm.s32 $0x32107654;
	v7 =	vimm.s32 $0xFEDCBA98  }
0x6: {  	s2 =	rddreg [dreg:$0x2];
	s10 =	simm.s32 $0x400;
	s11 =	simm.s32 $0x2000;
	v5 =	vcombine.low v4, v3;
	v3 =	vunpack.c.0.s8.s32 v2;
	v2 =	vimm.s32 $0x54761032  }
0x7: {  	s12 =	simm.s32 $0x1;
	s13 =	simm.s32 $0x2;
	s14 =	simm.s32 $0x4000;
	v7 =	vunpack.c.l.s4.s8 v7;
	v4 =	vimm.s32 $0xBA98FEDC;
	v2 =	vunpack.c.l.s4.s8 v2  }
0x8: {  	s15 =	simm.s32 $0x3;
	s7 =	sand.u32 $0x1, s3;
	s31 =	sshll.u32 s1, $0x8;
	v6 =	vunpack.c.l.s4.s8 v6;
	v0 =	vimm.f32 $0.0e+00;
	v4 =	vunpack.c.l.s4.s8 v4  }
0x9: {  	s4 =	sshll.u32 s1, $0xE;
	s5 =	sshll.u32 s7, $0x7;
	s8 =	sand.u32 $0x300, s31;
	v7 =	vunpack.c.0.s8.s32 v7;
	v8 =	vunpack.c.0.s8.s32 v2;
	v2 =	vimm.s32 $0x76543210  }
0xa: {  	s16 =	simm.s32 $0x0;
	s4 =	sand.u32 $0x30000, s4;
	s5 =	sor.u32 s5, s8;
	v6 =	vunpack.c.0.s8.s32 v6;
	v4 =	vunpack.c.0.s8.s32 v4;
	v9 =	vunpack.c.l.s4.s8 v2  }
0xb: {  	s3 =	simm.s32 $0x0;
	s7 =	ssub.s32 $0x2, s7;
	v1 =	vlaneseq.u32;
	s8 =	sor.u32 s4, s5;
	v11 =	vand.u32 $0xF, v7;
	v5 =	vand.u32 $0xF, v5  }
0xc: {  	[smem:$0x7FF] =	sst s3;
	s9 =	sshrl.u32 s7, $0x1;
	s8 =	sshrl.u32 s8, $0x3;
	v8 =	vcombine.low v8, v3;
	v10 =	vcombine.low v6, v4;
	v9 =	vunpack.c.0.s8.s32 v9  }
0xd: {  	_ =	strace $0x80000047;
	s9 =	ssub.s32 s7, s9;
	s6 =	sadd.s32 s6, s8;
	v2 =	vor.u32 $0x10, v1;
	v3 =	vor.u32 $0x20, v1;
	v4 =	vor.u32 $0x30, v1  }
0xe: {  	s7 =	sadd.s32 s0, s8;
	s8 =	smax.u32 s9, $0x1;
	s9 =	simm.s32 $0x80;
	v6 =	vand.u32 $0xF, v8;
	v7 =	vand.u32 $0xF, v10;
	v8 =	vcombine.low v11, v9  }
.LBB2_1:
0xf: {  	[tilespmem:s3], [sflag:$0x1] =	stream.strided.gather [hbm4b:s6+s9], $0x2000, s10, s9, $0x38;
	[tilespmem:$0x4080] =	vst v63  }
0x10: {  	s17 =	simm.s32 $0x40;
	s18 =	simm.s32 $0x0  }
.LBB2_2:
0x11: {  	p0 =	sne.s32 s17, $0x7FC0;
	[tilespmem:s18+$0x2000] =	vst v0;
	s18 =	smov.u32 s17;
	s17 =	sadd.s32 $0x40, s17  }
.Ltmp0:
0x12: {  	(pc) =	sbr.rel @p0 .LBB2_2-.Ltmp0, $2  }
0x13: {  	_ =	sdelay $0x2  }
0x14: {  	s18 =	sshra.s32 s18, $0x2  }
0x15: {  	[tilespmem:s18+$0x2000] =	vst v0  }
0x16: {  	[hbm4b:s7+s9] =	stream.strided.scatter [tilespmem:s11], [sflag:$0x2], $0x2000, s10, s9, $0x38;
	[tilespmem:$0x4080] =	vst v63  }
0x17: {  	_ =	swait.ge [sflag:s12], $0x2000  }
0x18: {  	[sflag:s12] =	ssyncset.done $0x0  }
0x19: {  	s20 =	simm.s32 $0x60;
	[sflag:s12] =	ssyncadd.s32 $0xFFFFE000  }
0x1a: {  	v9 =	vld [tilespmem:s20+$0x60]  }
0x1b: {  	v10 =	vld [tilespmem:s20+$0xFFFFFFA0]  }
0x1c: {  	v12 =	vld [tilespmem:s20+$0x20]  }
0x1d: {  	v13 =	vld [tilespmem:s20+$0xFFFFFFE0]  }
0x1e: {  	v14 =	vld [tilespmem:s20+$0x30]  }
0x1f: {  	v17 =	vld [tilespmem:s20+$0x40]  }
0x20: {  	v16 =	vimm.f32 $-Inf;
	v18 =	vld [tilespmem:s20+$0xFFFFFFF0]  }
0x21: {  	v20 =	vld [tilespmem:s20+$0xFFFFFFC0];
	vm0 =	vgt.f32 v10, v16  }
0x22: {  	v21 =	vld [tilespmem:s20+$0xFFFFFFD0];
	v10 =	vsel vm0, v10, v16  }
0x23: {  	v19 =	vld [tilespmem:s20+$0xFFFFFFB0];
	vm1 =	vgt.f32 v13, v10  }
0x24: {  	s17 =	simm.s32 $0x0;
	v11 =	vimm.s32 $0x0;
	v22 =	vld [tilespmem:s20+$0x0];
	v10 =	vsel vm1, v13, v10  }
0x25: {  	s19 =	simm.s32 $0x1;
	s18 =	simm.s32 $0xC0;
	v23 =	vld [tilespmem:s20+$0x10];
	v13 =	vsel vm0, s17, v11;
	vm0 =	vgt.f32 v12, v10  }
0x26: {  	s21 =	simm.s32 $0x2;
	s30 =	sor.u32 $0x60, s18;
	v24 =	vld [tilespmem:s20+$0x50];
	vm5 =	vgt.f32 v20, v16;
	v13 =	vsel vm1, s19, v13;
	v10 =	vsel vm0, v12, v10  }
0x27: {  	s22 =	sor.u32 $0x50, s18;
	s20 =	simm.s32 $0x3;
	v26 =	vld [tilespmem:s30+$0x0];
	vm6 =	vgt.f32 v21, v16;
	v12 =	vsel vm0, s21, v13;
	vm0 =	vgt.f32 v9, v10  }
0x28: {  	s31 =	sor.u32 $0x70, s18;
	v25 =	vsel vm0, v9, v10;
	v15 =	vsel vm0, s20, v12;
	v12 =	vld [tilespmem:s22+$0x0];
	vm0 =	vgt.f32 v19, v16  }
0x29: {  	v10 =	vsel vm5, v20, v16;
	v20 =	vld [tilespmem:s31+$0x0];
	s22 =	simm.s32 $0x160;
	v9 =	vsel vm0, v19, v16;
	v16 =	vsel vm6, v21, v16  }
0x2a: {  	vm7 =	vgt.f32 v22, v10;
	v27 =	vld [tilespmem:s22+$0xFFFFFFA0];
	vm1 =	vgt.f32 v18, v9;
	vm8 =	vgt.f32 v23, v16  }
0x2b: {  	v13 =	vld [tilespmem:s22+$0x60];
	v10 =	vsel vm7, v22, v10;
	v9 =	vsel vm1, v18, v9;
	v16 =	vsel vm8, v23, v16  }
0x2c: {  	v21 =	vld [tilespmem:s22+$0x20];
	vm9 =	vgt.f32 v17, v10;
	vm2 =	vgt.f32 v14, v9;
	vm10 =	vgt.f32 v24, v16  }
0x2d: {  	v28 =	vld [tilespmem:s22+$0xFFFFFFE0];
	v17 =	vsel vm9, v17, v10;
	v14 =	vsel vm2, v14, v9;
	v16 =	vsel vm10, v24, v16  }
0x2e: {  	v22 =	vld [tilespmem:s22+$0xFFFFFFC0];
	vm11 =	vgt.f32 v26, v17;
	vm3 =	vgt.f32 v12, v14;
	vm12 =	vgt.f32 v20, v16  }
0x2f: {  	v23 =	vld [tilespmem:s22+$0xFFFFFFD0];
	v17 =	vsel vm11, v26, v17;
	vm4 =	vgt.f32 v27, v25;
	v19 =	vsel vm3, v12, v14  }
0x30: {  	v10 =	vld [tilespmem:s22+$0x40];
	v18 =	vsel vm12, v20, v16;
	v12 =	vsel vm5, s17, v11;
	v14 =	vsel vm6, s17, v11  }
0x31: {  	v9 =	vld [tilespmem:s22+$0x30];
	v24 =	vsel vm4, v27, v25;
	v12 =	vsel vm7, s19, v12;
	v14 =	vsel vm8, s19, v14  }
0x32: {  	v16 =	vld [tilespmem:s22+$0xFFFFFFF0];
	vm5 =	vgt.f32 v28, v24;
	v12 =	vsel vm9, s21, v12;
	v25 =	vsel vm10, s21, v14  }
0x33: {  	s23 =	simm.s32 $0x4;
	s24 =	simm.s32 $0x8;
	v20 =	vld [tilespmem:s22+$0xFFFFFFB0];
	v24 =	vsel vm5, v28, v24;
	v14 =	vsel vm11, s20, v12;
	v12 =	vsel vm12, s20, v25  }
.LBB2_4:
0x34: {  	p0 =	slt.u32 s24, $0x7C;
	v15 =	vsel vm4, s23, v15;
	s25 =	sadd.s32 $0x1, s23;
	v25 =	vld [tilespmem:s22+$0x0];
	vm4 =	vgt.f32 v21, v24;
	v11 =	vsel vm0, s17, v11;
	s17 =	smov.u32 s23  }
0x35: {  	s18 =	sadd.s32 $0x100, s18;
	v15 =	vsel vm5, s25, v15;
	v26 =	vld [tilespmem:s22+$0x10];
	v21 =	vsel vm4, v21, v24;
	s23 =	sadd.s32 $0x2, s17;
	v11 =	vsel vm1, s19, v11;
	s19 =	smov.u32 s25  }
0x36: {  	s25 =	sadd.s32 $0x3, s17;
	s26 =	sor.u32 $0x50, s18;
	v15 =	vsel vm4, s23, v15;
	v24 =	vld [tilespmem:s22+$0x50];
	vm0 =	vgt.f32 v13, v21;
	v11 =	vsel vm2, s21, v11;
	s21 =	smov.u32 s23  }
0x37: {  	s23 =	smov.u32 s24;
	v27 =	vsel vm0, v13, v21;
	v15 =	vsel vm0, s25, v15;
	v28 =	vld [tilespmem:s26+$0x0];
	s26 =	sor.u32 $0x60, s18;
	v11 =	vsel vm3, s20, v11;
	s20 =	smov.u32 s25  }
0x38: {  	vm0 =	vgt.f32 v20, v19;
	vm5 =	vgt.f32 v22, v17;
	s25 =	sor.u32 $0x70, s18;
	vm6 =	vgt.f32 v23, v18;
	v29 =	vld [tilespmem:s26+$0x0]  }
0x39: {  	s22 =	sadd.s32 $0x100, s22;
	v19 =	vsel vm0, v20, v19;
	v17 =	vsel vm5, v22, v17;
	v18 =	vsel vm6, v23, v18;
	v20 =	vld [tilespmem:s25+$0x0]  }
0x3a: {  	vm1 =	vgt.f32 v16, v19;
	vm7 =	vgt.f32 v25, v17;
	v13 =	vld [tilespmem:s22+$0x60];
	vm8 =	vgt.f32 v26, v18  }
0x3b: {  	v16 =	vsel vm1, v16, v19;
	v17 =	vsel vm7, v25, v17;
	v22 =	vld [tilespmem:s22+$0xFFFFFFA0];
	v18 =	vsel vm8, v26, v18  }
0x3c: {  	vm2 =	vgt.f32 v9, v16;
	vm9 =	vgt.f32 v10, v17;
	v21 =	vld [tilespmem:s22+$0x20];
	vm10 =	vgt.f32 v24, v18  }
0x3d: {  	v16 =	vsel vm2, v9, v16;
	v17 =	vsel vm9, v10, v17;
	v25 =	vld [tilespmem:s22+$0xFFFFFFE0];
	v18 =	vsel vm10, v24, v18  }
0x3e: {  	vm3 =	vgt.f32 v28, v16;
	vm11 =	vgt.f32 v29, v17;
	v9 =	vld [tilespmem:s22+$0x30];
	vm12 =	vgt.f32 v20, v18  }
.Ltmp1:
0x3f: {  	v19 =	vsel vm3, v28, v16;
	v17 =	vsel vm11, v29, v17;
	v10 =	vld [tilespmem:s22+$0x40];
	v18 =	vsel vm12, v20, v18;
	(pc) =	sbr.rel @p0 .LBB2_4-.Ltmp1, $4  }
0x40: {  	v14 =	vsel vm5, s17, v14;
	v12 =	vsel vm6, s17, v12;
	vm4 =	vgt.f32 v22, v27;
	v16 =	vld [tilespmem:s22+$0xFFFFFFF0]  }
0x41: {  	v14 =	vsel vm7, s19, v14;
	v12 =	vsel vm8, s19, v12;
	v24 =	vsel vm4, v22, v27;
	v20 =	vld [tilespmem:s22+$0xFFFFFFB0]  }
0x42: {  	v14 =	vsel vm9, s21, v14;
	v12 =	vsel vm10, s21, v12;
	v22 =	vld [tilespmem:s22+$0xFFFFFFC0];
	vm5 =	vgt.f32 v25, v24  }
0x43: {  	s24 =	sadd.s32 $0x4, s24;
	v14 =	vsel vm11, s20, v14;
	v12 =	vsel vm12, s20, v12;
	v23 =	vld [tilespmem:s22+$0xFFFFFFD0];
	v24 =	vsel vm5, v25, v24  }
0x44: {  	vm6 =	vgt.f32 v21, v24  }
0x45: {  	v15 =	vsel vm4, s23, v15;
	s24 =	sadd.s32 $0x1, s23;
	v11 =	vsel vm0, s17, v11;
	v21 =	vsel vm6, v21, v24  }
0x46: {  	s30 =	sadd.s32 $0x2, s23;
	v15 =	vsel vm5, s24, v15;
	v11 =	vsel vm1, s19, v11;
	vm13 =	vgt.f32 v13, v21  }
0x47: {  	v25 =	vld [tilespmem:s22+$0x0];
	s31 =	sadd.s32 $0x3, s23;
	v15 =	vsel vm6, s30, v15;
	v11 =	vsel vm2, s21, v11;
	vm14 =	vgt.f32 v20, v19  }
0x48: {  	v56 =	vld [tilespmem:s22+$0x10];
	v13 =	vsel vm13, v13, v21;
	v15 =	vsel vm13, s31, v15;
	v11 =	vsel vm3, s20, v11  }
0x49: {  	s18 =	sadd.s32 $0x100, s18;
	vm1 =	vgt.f32 v22, v17;
	v19 =	vsel vm14, v20, v19;
	vm2 =	vgt.f32 v23, v18  }
0x4a: {  	s25 =	sor.u32 $0x50, s18;
	v17 =	vsel vm1, v22, v17;
	vm15 =	vgt.f32 v16, v19;
	v11 =	vsel vm14, s23, v11  }
0x4b: {  	v26 =	vld [tilespmem:s25+$0x0];
	v14 =	vsel vm1, s23, v14;
	v15 =	vshll.u32 v15, $0x6;
	v18 =	vsel vm2, v23, v18  }
0x4c: {  	v57 =	vld [tilespmem:s22+$0x50];
	vm4 =	vgt.f32 v25, v17;
	v16 =	vsel vm15, v16, v19;
	v11 =	vsel vm15, s24, v11  }
0x4d: {  	s26 =	sor.u32 $0x60, s18;
	v12 =	vsel vm2, s23, v12;
	v15 =	vor.u32 v1, v15;
	vm12 =	vgt.f32 v56, v18  }
0x4e: {  	v58 =	vld [tilespmem:s26+$0x0];
	v17 =	vsel vm4, v25, v17;
	vm13 =	vgt.f32 v9, v16;
	v14 =	vsel vm4, s24, v14  }
0x4f: {  	v18 =	vsel vm12, v56, v18;
	vm7 =	vgt.f32 v10, v17;
	v9 =	vsel vm13, v9, v16  }
0x50: {  	v11 =	vsel vm13, s30, v11;
	v12 =	vsel vm12, s24, v12;
	vm14 =	vgt.f32 v26, v9  }
0x51: {  	vm8 =	vgt.f32 v57, v18;
	v10 =	vsel vm7, v10, v17;
	v11 =	vsel vm14, s31, v11  }
0x52: {  	s18 =	sor.u32 $0x70, s18;
	v14 =	vsel vm7, s30, v14;
	v60 =	vsel vm8, v57, v18;
	v11 =	vshll.u32 v11, $0x6  }
0x53: {  	v59 =	vld [tilespmem:s18+$0x0];
	vm9 =	vgt.f32 v58, v10;
	v9 =	vsel vm14, v26, v9;
	v11 =	vor.u32 v2, v11  }
0x54: {  	v12 =	vsel vm8, s30, v12;
	vm4 =	veq.f32 v9, v13;
	vm6 =	vlt.s32 v11, v15  }
0x55: {  	v14 =	vsel vm9, s31, v14;
	vm7 =	vgt.f32 v9, v13;
	vm0 =	vmand vm4, vm6  }
0x56: {  	v10 =	vsel vm9, v58, v10;
	v14 =	vshll.u32 v14, $0x6;
	vm0 =	vmor vm7, vm0  }
0x57: {  	v61 =	vor.u32 v3, v14;
	v9 =	vsel vm0, v9, v13;
	v11 =	vsel vm0, v11, v15  }
0x58: {  	vm15 =	vgt.f32 v59, v60;
	vm9 =	veq.f32 v10, v9;
	vm10 =	vlt.s32 v61, v11  }
0x59: {  	v12 =	vsel vm15, s31, v12;
	vm11 =	vgt.f32 v10, v9;
	vm0 =	vmand vm9, vm10  }
0x5a: {  	v62 =	vsel vm15, v59, v60;
	v12 =	vshll.u32 v12, $0x6;
	vm0 =	vmor vm11, vm0  }
0x5b: {  	v9 =	vsel vm0, v10, v9;
	v10 =	vsel vm0, v61, v11;
	v11 =	vor.u32 v4, v12  }
0x5c: {  	vm12 =	veq.f32 v62, v9;
	vm13 =	vlt.s32 v11, v10  }
0x5d: {  	vm14 =	vgt.f32 v62, v9;
	vm0 =	vmand vm12, vm13  }
0x5e: {  	vm0 =	vmor vm14, vm0  }
0x5f: {  	v9 =	vsel vm0, v62, v9;
	v10 =	vsel vm0, v11, v10  }
0x60: {  	v11 =	vperm.xlane v9, v5;
	v63 =	vperm.xlane v10, v5;
	_ =	sdelay $0x1  }
0x61: {  	vm15 =	veq.f32 v11, v9;
	vm4 =	vlt.s32 v63, v10  }
0x62: {  	vm5 =	vgt.f32 v11, v9;
	vm0 =	vmand vm15, vm4  }
0x63: {  	vm0 =	vmor vm5, vm0  }
0x64: {  	v9 =	vsel vm0, v11, v9;
	v10 =	vsel vm0, v63, v10  }
0x65: {  	v11 =	vperm.xlane v9, v6;
	v12 =	vperm.xlane v10, v6;
	_ =	sdelay $0x1  }
0x66: {  	vm6 =	veq.f32 v11, v9;
	vm7 =	vlt.s32 v12, v10  }
0x67: {  	vm8 =	vgt.f32 v11, v9;
	vm0 =	vmand vm6, vm7  }
0x68: {  	vm0 =	vmor vm8, vm0  }
0x69: {  	v9 =	vsel vm0, v11, v9;
	v10 =	vsel vm0, v12, v10  }
0x6a: {  	v11 =	vperm.xlane v9, v7;
	v12 =	vperm.xlane v10, v7;
	_ =	sdelay $0x1  }
0x6b: {  	vm9 =	veq.f32 v11, v9;
	vm10 =	vlt.s32 v12, v10  }
0x6c: {  	vm11 =	vgt.f32 v11, v9;
	vm0 =	vmand vm9, vm10  }
0x6d: {  	vm0 =	vmor vm11, vm0  }
0x6e: {  	v9 =	vsel vm0, v11, v9;
	v10 =	vsel vm0, v12, v10  }
0x6f: {  	v11 =	vperm.xlane v9, v8;
	v12 =	vperm.xlane v10, v8;
	_ =	sdelay $0x1  }
0x70: {  	vm12 =	veq.f32 v11, v9;
	vm13 =	vlt.s32 v12, v10  }
0x71: {  	vm14 =	vgt.f32 v11, v9;
	vm0 =	vmand vm12, vm13  }
0x72: {  	vm0 =	vmor vm14, vm0  }
0x73: {  	v9 =	vsel vm0, v12, v10  }
0x74: {  	(v2sf) =	vpush v9, $0x0;
	_ =	sdelay $0xe  }
0x75: {  	s28 =	spop (v2sf)  }
0x76: {  	s29 =	sshra.s32 s28, $0x1F  }
0x77: {  	s18 =	sshrl.u32 s29, $0x1C  }
0x78: {  	s18 =	sadd.s32 s18, s28  }
0x79: {  	s30 =	sand.u32 $0xFFFFFFF0, s18  }
0x7a: {  	p0 =	slt.s32 s28, $0x1;
	p1 =	sne.s32 s28, s30  }
0x7b: {  	p0 =	por !p0, !p1  }
0x7c: {  	s19 =	simm.s32 $0x1;
	p0 =	por !p0, !p0  }
0x7d: {  	s18 =	sshra.s32 s18, $0x4;
	s19 =	simm.s32 @!p0 $0x0  }
0x7e: {  	s18 =	ssub.s32 s18, s19  }
0x7f: {  	s19 =	sshll.u32 s18, $0x7  }
0x80: {  	s18 =	sshll.u32 s18, $0x4;
	s19 =	sand.u32 $0xFFFFFC00, s19  }
0x81: {  	s17 =	sand.u32 $0xF, s28;
	s18 =	sand.u32 $0x70, s18;
	s19 =	sadd.s32 s4, s19  }
0x82: {  	_ =	swait.ge [sflag:s13], $0x2000;
	v9 =	vmov s17;
	s31 =	sor.u32 s18, s19  }
0x83: {  	s16 =	sadd.s32 $0x1, s16;
	[sflag:s13] =	ssyncset.done $0x0;
	vm15 =	veq.s32 v9, v1;
	s17 =	sor.u32 s5, s31  }
0x84: {  	[sflag:s13] =	ssyncadd.s32 $0xFFFFE000;
	v9 =	vsel vm15, $0x3F800000, v0;
	p0 =	sne.s32 s16, s8;
	s17 =	sshrl.u32 s17, $0x3  }
.Ltmp2:
0x85: {  	[tilespmem:$0x4000] =	vst v9;
	s17 =	sadd.s32 s0, s17;
	(pc) =	sbr.rel @p0 .LBB2_1-.Ltmp2, $4  }
0x86: {  	[hbm4b:s17+s3] =	stream.linear.scatter [tilespmem:s14], [sflag:$0x3], $0x10, $0x38;
	[tilespmem:$0x4080] =	vst v63  }
0x87: {  	_ =	swait.ge [sflag:s15], $0x10  }
0x88: {  	[sflag:s15] =	ssyncset.done $0x0  }
0x89: {  	[sflag:s15] =	ssyncadd.s32 $0xFFFFFFF0  }
0x8a: {  	_ =	sfence.sel $0x180000  }
0x8b: {  	[bflag:$0x0] =	sbarrier.arrive $0xFFFF  }
0x8c: {  	p0 =	sne.s32 s1, $0x0;
	_ =	strace $0x90000047  }
0x8d: {  	s0 =	sadd.s32 @!p0 $0x100000, s2;
	[bflag:$0x2] =	sbarrier.arrive $0xFFFF  }
0x8e: {  	[sflag:s0] =	ssyncadd.tile.s32 @!p0 $0x1;
	_ =	shalt  }
.Lfunc_end2:
_tile_overlayer_lowered:
.L_overlay_start_2:
0x8f: {  	(tag) =	ssettag $0x2  }
0x90: {  	s0 =	rddreg [dreg:$0x0];
	s2 =	stileid.u32  }
0x91: {  	s1 =	rddreg [dreg:$0x1];
	p0 =	sne.s32 s2, $0x0  }
0x92: {  	s3 =	rddreg [dreg:$0x2];
	[bflag:$0x3] =	sbarrier.arrive $0xFFFF;
	s2 =	simm.s32 @!p0 $0x1C03  }
0x93: {  	[timem:s3], [sflag:s2] =	dma.local @!p0 [hbm:s0], s1  }
0x94: {  	s0 =	simm.s32 @!p0 $0x3  }
0x95: {  	_ =	swait.ge @!p0 [sflag:s0], s1  }
0x96: {  	s1 =	ssub.s32 @!p0 $0x0, s1;
	[sflag:s0] =	ssyncset.done @!p0 $0x0  }
0x97: {  	[sflag:s0] =	ssyncadd.s32 @!p0 s1  }
0x98: {  	[bflag:$0x3] =	sbarrier.arrive $0xFFFF  }
0x99: {  	_ =	shalt  }

</sc_bundles>
